<compile_context>
chip_gen: v7x
topology: tpu7x:2x2x1
jax: 0.10.2.dev20260603
libtpu: 0.0.44.dev20260713+nightly
codegen_flags: <defaults>
</compile_context>

<pallas_src>
import jax
import jax.numpy as jnp
from jax import lax
from jax.experimental import pallas as pl
from jax.experimental.pallas import tpu as pltpu
from jax.experimental.pallas import tpu_sc as plsc

_BATCH = 4096
_N = 200
_NP1 = 201
_F = 128
_NW = 32
_BPW = _BATCH // _NW
_ROWS = _BPW * _NP1
_CH = 96
_NCH = _ROWS // _CH
_SIG = _BPW * _N
_PAD = 8


def _sc_body(sig_hbm, tab_hbm, out1_hbm, out2_hbm, st_hbm,
             sig_v, idx1_v, idx2_v,
             rows1a, rows1b, rows2a, rows2b, st_v,
             g1a, g1b, g2a, g2b, s1a, s1b, s2a, s2b):
    wid = lax.axis_index("s") * 2 + lax.axis_index("c")
    sbase = pl.multiple_of(wid * _SIG, 128)
    rbase = pl.multiple_of(wid * _ROWS, 8)

    ones = jnp.ones((16,), jnp.float32)
    sig_v[pl.ds(0, 16)] = ones
    sig_v[pl.ds(_SIG, 16)] = ones
    pltpu.sync_copy(sig_hbm.at[pl.ds(sbase, _SIG)], sig_v.at[pl.ds(_PAD, _SIG)])

    iota = lax.iota(jnp.int32, 16)
    isfirst = iota == 0

    def row_body(r, carry):
        off = _PAD + r * _N
        ob = r * _NP1
        for i in range(13):
            spread = (iota + (i * 16 + 1)) * 3
            sv = sig_v[pl.ds(off + i * 16, 16)]
            s = ((sv + 1.0) * 0.5).astype(jnp.int32)
            idx1_v[pl.ds(ob + 1 + i * 16, 16)] = s + spread
            st_v[pl.ds(i * 16, 16)] = s
            rv = sig_v[pl.ds(off + 184 - i * 16, 16)]
            sr = ((lax.rev(rv, (0,)) + 1.0) * 0.5).astype(jnp.int32)
            idx2_v[pl.ds(ob + 1 + i * 16, 16)] = sr + spread
        spread0 = iota * 3
        sv = sig_v[pl.ds(off - 1, 16)]
        s = ((sv + 1.0) * 0.5).astype(jnp.int32)
        idx1_v[pl.ds(ob, 16)] = jnp.where(isfirst, 2, s) + spread0
        rv = sig_v[pl.ds(off + 185, 16)]
        sr = ((lax.rev(rv, (0,)) + 1.0) * 0.5).astype(jnp.int32)
        idx2_v[pl.ds(ob, 16)] = jnp.where(isfirst, 2, sr) + spread0
        pltpu.sync_copy(st_v.at[pl.ds(0, _N)],
                        st_hbm.at[pl.ds(sbase + r * _N, _N)])
        return carry

    lax.fori_loop(0, _BPW, row_body, 0)

    def gather(k, rows1, rows2, sg1, sg2):
        coff = pl.multiple_of(k * _CH, 8)
        pltpu.async_copy(tab_hbm.at[idx1_v.at[pl.ds(coff, _CH)]], rows1, sg1)
        pltpu.async_copy(tab_hbm.at[idx2_v.at[pl.ds(coff, _CH)]], rows2, sg2)

    def wait_gather(rows1, rows2, sg1, sg2):
        coff = pl.multiple_of(0, 8)
        pltpu.make_async_copy(tab_hbm.at[idx1_v.at[pl.ds(coff, _CH)]], rows1, sg1).wait()
        pltpu.make_async_copy(tab_hbm.at[idx2_v.at[pl.ds(coff, _CH)]], rows2, sg2).wait()

    def store(k, rows1, rows2, ss1, ss2):
        off = pl.multiple_of(rbase + k * _CH, 8)
        pltpu.async_copy(rows1, out1_hbm.at[pl.ds(off, _CH)], ss1)
        pltpu.async_copy(rows2, out2_hbm.at[pl.ds(off, _CH)], ss2)

    def wait_store(rows1, rows2, ss1, ss2):
        off = pl.multiple_of(rbase, 8)
        pltpu.make_async_copy(rows1, out1_hbm.at[pl.ds(off, _CH)], ss1).wait()
        pltpu.make_async_copy(rows2, out2_hbm.at[pl.ds(off, _CH)], ss2).wait()

    gather(0, rows1a, rows2a, g1a, g2a)
    gather(1, rows1b, rows2b, g1b, g2b)

    def pipe_body(j, carry):
        k = pl.multiple_of(j * 2, 2)
        wait_gather(rows1a, rows2a, g1a, g2a)
        store(k, rows1a, rows2a, s1a, s2a)
        wait_gather(rows1b, rows2b, g1b, g2b)
        store(k + 1, rows1b, rows2b, s1b, s2b)

        @pl.when(k + 2 <= _NCH - 1)
        def _():
            wait_store(rows1a, rows2a, s1a, s2a)
            gather(k + 2, rows1a, rows2a, g1a, g2a)

        @pl.when(k + 3 <= _NCH - 1)
        def _():
            wait_store(rows1b, rows2b, s1b, s2b)
            gather(k + 3, rows1b, rows2b, g1b, g2b)

        return carry

    lax.fori_loop(0, _NCH // 2, pipe_body, 0)

    wait_store(rows1a, rows2a, s1a, s2a)
    wait_store(rows1b, rows2b, s1b, s2b)


@jax.jit
def kernel(sigma, embed_table):
    mesh = plsc.VectorSubcoreMesh(core_axis_name="c", subcore_axis_name="s")
    k = pl.kernel(
        _sc_body,
        mesh=mesh,
        out_type=[
            jax.ShapeDtypeStruct((_BATCH * _NP1, _F), jnp.float32),
            jax.ShapeDtypeStruct((_BATCH * _NP1, _F), jnp.float32),
            jax.ShapeDtypeStruct((_BATCH * _N,), jnp.int32),
        ],
        scratch_types=[
            pltpu.VMEM((_PAD + _SIG + 16,), jnp.float32),
            pltpu.VMEM((_ROWS + 16,), jnp.int32),
            pltpu.VMEM((_ROWS + 16,), jnp.int32),
            pltpu.VMEM((_CH, _F), jnp.float32),
            pltpu.VMEM((_CH, _F), jnp.float32),
            pltpu.VMEM((_CH, _F), jnp.float32),
            pltpu.VMEM((_CH, _F), jnp.float32),
            pltpu.VMEM((_N + 16,), jnp.int32),
            pltpu.SemaphoreType.DMA,
            pltpu.SemaphoreType.DMA,
            pltpu.SemaphoreType.DMA,
            pltpu.SemaphoreType.DMA,
            pltpu.SemaphoreType.DMA,
            pltpu.SemaphoreType.DMA,
            pltpu.SemaphoreType.DMA,
            pltpu.SemaphoreType.DMA,
        ],
    )
    rep = jnp.tile(embed_table, (_NP1 + 8, 1))
    out1, out2, st = k(sigma.reshape(-1), rep)
    return (out1.reshape(_BATCH, _NP1, _F),
            out2.reshape(_BATCH, _NP1, _F),
            st.reshape(_BATCH, _N))

# --- scband reference (transcript-rebuilt; emitter-appended) ---
"""Pipeline reference for scband-embed-83184926589114 (READ-ONLY COPY).

The authoritative reference and input builder live on the scoring server;
editing this copy changes nothing except your own understanding.
"""

import jax, jax.numpy as jnp
import numpy as np

# Config (from init_kwargs): spin-1/2 chain, n_state=2, embed table rows = n_state+1 = 3
# pos_embed = ZERO (zeros positional embedding), embed_concat = False, symmetries = [MIRROR]
N_STATE = 2
SPIN = 0.5
CHAIN_N = 200
FEATURES = 128
BATCH = 4096


def setup_inputs(seed: int = 0) -> dict:
    key = jax.random.key(seed)
    k1, k2 = jax.random.split(key)
    # spins sigma in {-1, +1}, float32, shape [batch, chain.n]
    sigma = jax.random.randint(k1, (BATCH, CHAIN_N), 0, 2).astype(jnp.float32) * 2.0 - 1.0
    # learned embedding table nn.Embed(num_embeddings=n_state+1, features=features_2)
    embed_table = jax.random.normal(k2, (N_STATE + 1, FEATURES), dtype=jnp.float32) * 0.02
    return {"sigma": sigma, "embed_table": embed_table}


def _spin2state(s):
    # ((sigma + spin + 0.5) / 2).astype(int32); sigma in {-1,+1}, spin=0.5 -> states in {0,1}
    return ((s + SPIN + 0.5) / 2.0).astype(jnp.int32)


def reference(sigma, embed_table):
    batch = sigma.shape[0]
    states = _spin2state(sigma)
    states_z2 = _spin2state(-1.0 * sigma)  # computed in original forward (unused without Z2 symmetry)
    # first_embedding = embed(full((batch,1), n_state))
    first_idx = jnp.full((batch, 1), N_STATE, dtype=jnp.int32)
    first_embedding = jnp.take(embed_table, first_idx, axis=0)
    # state_embedding = embed(states)
    state_embedding = jnp.take(embed_table, states, axis=0)
    state_embedding_z2 = jnp.take(embed_table, states_z2, axis=0)  # unused (no Z2 in symmetries)

    def _get_embedding(fe, se):
        # concat first token then add positional embedding (PosEmbType.ZERO -> zeros), embed_concat=False
        se = jnp.concatenate([fe, se], axis=1)
        pos_embedding = jnp.zeros_like(se)
        return se + pos_embedding

    # base embedding
    out1 = _get_embedding(first_embedding, state_embedding)
    # MIRROR symmetry: flipped along site axis
    out2 = _get_embedding(first_embedding, jnp.flip(state_embedding, axis=1))
    # original returns (state_embeddings list, spin2state(sigma))
    return (out1, out2, states)

if __name__ == "__main__":
    import jax
    _d = setup_inputs()
    print(jax.jit(kernel)(*tuple(_d.values())))

</pallas_src>

<mosaic_0001>
#map = affine_map<(d0, d1) -> (0)>
#map1 = affine_map<(d0, d1) -> (0, 0)>
module attributes {stable_mosaic.version = 14 : i64} {
  func.func @_sc_body(%arg0: i32, %arg1: i32, %arg2: memref<819200xf32, #tpu.memory_space<hbm>>, %arg3: memref<627x128xf32, #tpu.memory_space<hbm>>, %arg4: memref<823296x128xf32, #tpu.memory_space<hbm>>, %arg5: memref<823296x128xf32, #tpu.memory_space<hbm>>, %arg6: memref<819200xi32, #tpu.memory_space<hbm>>, %arg7: memref<25624xf32, #tpu.memory_space<vmem>>, %arg8: memref<25744xi32, #tpu.memory_space<vmem>>, %arg9: memref<25744xi32, #tpu.memory_space<vmem>>, %arg10: memref<96x128xf32, #tpu.memory_space<vmem>>, %arg11: memref<96x128xf32, #tpu.memory_space<vmem>>, %arg12: memref<96x128xf32, #tpu.memory_space<vmem>>, %arg13: memref<96x128xf32, #tpu.memory_space<vmem>>, %arg14: memref<216xi32, #tpu.memory_space<vmem>>, %arg15: memref<!tpu.dma_semaphore, #tpu.memory_space<semaphore_mem>>, %arg16: memref<!tpu.dma_semaphore, #tpu.memory_space<semaphore_mem>>, %arg17: memref<!tpu.dma_semaphore, #tpu.memory_space<semaphore_mem>>, %arg18: memref<!tpu.dma_semaphore, #tpu.memory_space<semaphore_mem>>, %arg19: memref<!tpu.dma_semaphore, #tpu.memory_space<semaphore_mem>>, %arg20: memref<!tpu.dma_semaphore, #tpu.memory_space<semaphore_mem>>, %arg21: memref<!tpu.dma_semaphore, #tpu.memory_space<semaphore_mem>>, %arg22: memref<!tpu.dma_semaphore, #tpu.memory_space<semaphore_mem>>) attributes {dimension_semantics = [#tpu.dimension_semantics<core_parallel>, #tpu.dimension_semantics<subcore_parallel>], iteration_bounds = array<i64: 2, 16>, scalar_prefetch = 0 : i64, scratch_operands = 16 : i64, tpu.core_type = #tpu.core_type<sc_vector_subcore>, window_params = [{transform_indices = #map}, {transform_indices = #map1}, {transform_indices = #map1}, {transform_indices = #map1}, {transform_indices = #map}]} {
    %mul3A = arith.constant 2 : i32
    %mul3A_0 = arith.muli %arg1, %mul3A : i32
    %add3A = arith.addi %mul3A_0, %arg0 : i32
    %mul3A_1 = arith.constant 25600 : i32
    %mul3A_2 = arith.muli %add3A, %mul3A_1 : i32
    %multiple_of3A = tpu.assume_multiple %mul3A_2, 128 : i32
    %mul3A_3 = arith.constant 25728 : i32
    %mul3A_4 = arith.muli %add3A, %mul3A_3 : i32
    %multiple_of3A_5 = tpu.assume_multiple %mul3A_4, 8 : i32
    %broadcast_in_dim3A = arith.constant 1.000000e+00 : f32
    %broadcast_in_dim3A_6 = vector.broadcast %broadcast_in_dim3A : f32 to vector<16xf32>
    %swap3A = arith.constant 0 : index
    %swap3A_7 = tpu.vector_load %arg7[%swap3A] {strides = array<i32>} : memref<25624xf32, #tpu.memory_space<vmem>>, vector<16xf32>,
    %swap3A_8 = vector.shape_cast %swap3A_7 : vector<16xf32> to vector<16xf32>
    %swap3A_9 = vector.shape_cast %broadcast_in_dim3A_6 : vector<16xf32> to vector<16xf32>
    tpu.vector_store %arg7[%swap3A], %swap3A_9 {strides = array<i32>} : memref<25624xf32, #tpu.memory_space<vmem>>, vector<16xf32>,
    %swap3A_10 = arith.constant 25600 : index
    %swap3A_11 = tpu.vector_load %arg7[%swap3A_10] {strides = array<i32>} : memref<25624xf32, #tpu.memory_space<vmem>>, vector<16xf32>,
    %swap3A_12 = vector.shape_cast %swap3A_11 : vector<16xf32> to vector<16xf32>
    %swap3A_13 = vector.shape_cast %broadcast_in_dim3A_6 : vector<16xf32> to vector<16xf32>
    tpu.vector_store %arg7[%swap3A_10], %swap3A_13 {strides = array<i32>} : memref<25624xf32, #tpu.memory_space<vmem>>, vector<16xf32>,
    "tpu.region"() ({
      %run_scoped3A = tpu.sem_alloc : memref<!tpu.dma_semaphore, #tpu.memory_space<semaphore_mem>>
      %dma_start3A_63 = arith.constant 8 : i32
      %dma_start3A_64 = tpu.memref_slice %arg7[%dma_start3A_63] : memref<25624xf32, #tpu.memory_space<vmem>> -> memref<25600xf32, #tpu.memory_space<vmem>>
      %dma_start3A_65 = tpu.memref_slice %arg2[%multiple_of3A] : memref<819200xf32, #tpu.memory_space<hbm>> -> memref<25600xf32, #tpu.memory_space<hbm>>
      %dma_start3A_66 = arith.constant 8 : i32
      %dma_start3A_67 = tpu.memref_slice %arg7[%dma_start3A_66] : memref<25624xf32, #tpu.memory_space<vmem>> -> memref<25600xf32, #tpu.memory_space<vmem>>
      %dma_start3A_68 = tpu.memref_slice %arg2[%multiple_of3A] : memref<819200xf32, #tpu.memory_space<hbm>> -> memref<25600xf32, #tpu.memory_space<hbm>>
      tpu.enqueue_dma source(%dma_start3A_68 : memref<25600xf32, #tpu.memory_space<hbm>>) target(%dma_start3A_67 : memref<25600xf32, #tpu.memory_space<vmem>>) target_semaphore(%run_scoped3A : memref<!tpu.dma_semaphore, #tpu.memory_space<semaphore_mem>>)
      %dma_wait3A_69 = arith.constant 8 : i32
      %dma_wait3A_70 = tpu.memref_slice %arg7[%dma_wait3A_69] : memref<25624xf32, #tpu.memory_space<vmem>> -> memref<25600xf32, #tpu.memory_space<vmem>>
      %dma_wait3A_71 = tpu.memref_slice %arg2[%multiple_of3A] : memref<819200xf32, #tpu.memory_space<hbm>> -> memref<25600xf32, #tpu.memory_space<hbm>>
      %dma_wait3A_72 = arith.constant 8 : i32
      %dma_wait3A_73 = tpu.memref_slice %arg7[%dma_wait3A_72] : memref<25624xf32, #tpu.memory_space<vmem>> -> memref<25600xf32, #tpu.memory_space<vmem>>
      %dma_wait3A_74 = tpu.memref_slice %arg2[%multiple_of3A] : memref<819200xf32, #tpu.memory_space<hbm>> -> memref<25600xf32, #tpu.memory_space<hbm>>
      tpu.wait_dma2 semaphore(%run_scoped3A : memref<!tpu.dma_semaphore, #tpu.memory_space<semaphore_mem>>) src(%dma_wait3A_74 : memref<25600xf32, #tpu.memory_space<hbm>>) dst(%dma_wait3A_73 : memref<25600xf32, #tpu.memory_space<vmem>>)
      tpu.yield
    }) : () -> ()
    %iota3A = tpu.iota {dimensions = array<i32: 0>} : vector<16xi32>
    %eq3A = arith.constant 0 : i32
    %eq3A_14 = vector.broadcast %eq3A : i32 to vector<16xi32>
    %eq3A_15 = arith.cmpi eq, %iota3A, %eq3A_14 : vector<16xi32>
    %scan3A = arith.constant 0 : i32
    %scan3A_16 = arith.constant 0 : i32
    %scan3A_17 = arith.constant 128 : i32
    %scan3A_18 = arith.addi %scan3A_16, %scan3A_17 : i32
    %scan3A_19 = arith.constant 1 : i32
    scf.for %scan3A_63 = %scan3A_16 to %scan3A_18 step %scan3A_19  : i32 {
      %mul3A_64 = arith.constant 200 : i32
      %mul3A_65 = arith.muli %scan3A_63, %mul3A_64 : i32
      %add3A_66 = arith.constant 8 : i32
      %add3A_67 = arith.addi %add3A_66, %mul3A_65 : i32
      %mul3A_68 = arith.constant 201 : i32
      %mul3A_69 = arith.muli %scan3A_63, %mul3A_68 : i32
      %add3A_70 = arith.constant 1 : i32
      %add3A_71 = vector.broadcast %add3A_70 : i32 to vector<16xi32>
      %add3A_72 = arith.addi %iota3A, %add3A_71 : vector<16xi32>
      %mul3A_73 = arith.constant 3 : i32
      %mul3A_74 = vector.broadcast %mul3A_73 : i32 to vector<16xi32>
      %mul3A_75 = arith.muli %add3A_72, %mul3A_74 : vector<16xi32>
      %add3A_76 = arith.constant 0 : i32
      %add3A_77 = arith.addi %add3A_67, %add3A_76 : i32
      %get3A = arith.index_cast %add3A_77 : i32 to index
      %get3A_78 = tpu.vector_load %arg7[%get3A] {strides = array<i32>} : memref<25624xf32, #tpu.memory_space<vmem>>, vector<16xf32>,
      %get3A_79 = vector.shape_cast %get3A_78 : vector<16xf32> to vector<16xf32>
      %add3A_80 = arith.constant 1.000000e+00 : f32
      %add3A_81 = vector.broadcast %add3A_80 : f32 to vector<16xf32>
      %add3A_82 = arith.addf %get3A_79, %add3A_81 : vector<16xf32>
      %mul3A_83 = arith.constant 5.000000e-01 : f32
      %mul3A_84 = vector.broadcast %mul3A_83 : f32 to vector<16xf32>
      %mul3A_85 = arith.mulf %add3A_82, %mul3A_84 : vector<16xf32>
      %convert_element_type3A = arith.fptosi %mul3A_85 : vector<16xf32> to vector<16xi32>
      %add3A_86 = arith.addi %convert_element_type3A, %mul3A_75 : vector<16xi32>
      %add3A_87 = arith.constant 1 : i32
      %add3A_88 = arith.addi %mul3A_69, %add3A_87 : i32
      %add3A_89 = arith.constant 0 : i32
      %add3A_90 = arith.addi %add3A_88, %add3A_89 : i32
      %swap3A_91 = arith.index_cast %add3A_90 : i32 to index
      %swap3A_92 = tpu.vector_load %arg8[%swap3A_91] {strides = array<i32>} : memref<25744xi32, #tpu.memory_space<vmem>>, vector<16xi32>,
      %swap3A_93 = vector.shape_cast %swap3A_92 : vector<16xi32> to vector<16xi32>
      %swap3A_94 = vector.shape_cast %add3A_86 : vector<16xi32> to vector<16xi32>
      tpu.vector_store %arg8[%swap3A_91], %swap3A_94 {strides = array<i32>} : memref<25744xi32, #tpu.memory_space<vmem>>, vector<16xi32>,
      %swap3A_95 = arith.constant 0 : index
      %swap3A_96 = tpu.vector_load %arg14[%swap3A_95] {strides = array<i32>} : memref<216xi32, #tpu.memory_space<vmem>>, vector<16xi32>,
      %swap3A_97 = vector.shape_cast %swap3A_96 : vector<16xi32> to vector<16xi32>
      %swap3A_98 = vector.shape_cast %convert_element_type3A : vector<16xi32> to vector<16xi32>
      tpu.vector_store %arg14[%swap3A_95], %swap3A_98 {strides = array<i32>} : memref<216xi32, #tpu.memory_space<vmem>>, vector<16xi32>,
      %add3A_99 = arith.constant 184 : i32
      %add3A_100 = arith.addi %add3A_67, %add3A_99 : i32
      %sub3A = arith.constant 0 : i32
      %sub3A_101 = arith.subi %add3A_100, %sub3A : i32
      %get3A_102 = arith.index_cast %sub3A_101 : i32 to index
      %get3A_103 = tpu.vector_load %arg7[%get3A_102] {strides = array<i32>} : memref<25624xf32, #tpu.memory_space<vmem>>, vector<16xf32>,
      %get3A_104 = vector.shape_cast %get3A_103 : vector<16xf32> to vector<16xf32>
      %rev3A = arith.constant 15 : i32
      %rev3A_105 = vector.broadcast %rev3A : i32 to vector<16xi32>
      %rev3A_106 = tpu.iota {dimensions = array<i32: 0>} : vector<16xi32>
      %rev3A_107 = arith.subi %rev3A_105, %rev3A_106 : vector<16xi32>
      %rev3A_108 = tpu.dynamic_gather %get3A_104[%rev3A_107] in [0] : vector<16xf32>, vector<16xi32> -> vector<16xf32>
      %add3A_109 = arith.constant 1.000000e+00 : f32
      %add3A_110 = vector.broadcast %add3A_109 : f32 to vector<16xf32>
      %add3A_111 = arith.addf %rev3A_108, %add3A_110 : vector<16xf32>
      %mul3A_112 = arith.constant 5.000000e-01 : f32
      %mul3A_113 = vector.broadcast %mul3A_112 : f32 to vector<16xf32>
      %mul3A_114 = arith.mulf %add3A_111, %mul3A_113 : vector<16xf32>
      %convert_element_type3A_115 = arith.fptosi %mul3A_114 : vector<16xf32> to vector<16xi32>
      %add3A_116 = arith.addi %convert_element_type3A_115, %mul3A_75 : vector<16xi32>
      %add3A_117 = arith.constant 1 : i32
      %add3A_118 = arith.addi %mul3A_69, %add3A_117 : i32
      %add3A_119 = arith.constant 0 : i32
      %add3A_120 = arith.addi %add3A_118, %add3A_119 : i32
      %swap3A_121 = arith.index_cast %add3A_120 : i32 to index
      %swap3A_122 = tpu.vector_load %arg9[%swap3A_121] {strides = array<i32>} : memref<25744xi32, #tpu.memory_space<vmem>>, vector<16xi32>,
      %swap3A_123 = vector.shape_cast %swap3A_122 : vector<16xi32> to vector<16xi32>
      %swap3A_124 = vector.shape_cast %add3A_116 : vector<16xi32> to vector<16xi32>
      tpu.vector_store %arg9[%swap3A_121], %swap3A_124 {strides = array<i32>} : memref<25744xi32, #tpu.memory_space<vmem>>, vector<16xi32>,
      %add3A_125 = arith.constant 17 : i32
      %add3A_126 = vector.broadcast %add3A_125 : i32 to vector<16xi32>
      %add3A_127 = arith.addi %iota3A, %add3A_126 : vector<16xi32>
      %mul3A_128 = arith.constant 3 : i32
      %mul3A_129 = vector.broadcast %mul3A_128 : i32 to vector<16xi32>
      %mul3A_130 = arith.muli %add3A_127, %mul3A_129 : vector<16xi32>
      %add3A_131 = arith.constant 16 : i32
      %add3A_132 = arith.addi %add3A_67, %add3A_131 : i32
      %get3A_133 = arith.index_cast %add3A_132 : i32 to index
      %get3A_134 = tpu.vector_load %arg7[%get3A_133] {strides = array<i32>} : memref<25624xf32, #tpu.memory_space<vmem>>, vector<16xf32>,
      %get3A_135 = vector.shape_cast %get3A_134 : vector<16xf32> to vector<16xf32>
      %add3A_136 = arith.constant 1.000000e+00 : f32
      %add3A_137 = vector.broadcast %add3A_136 : f32 to vector<16xf32>
      %add3A_138 = arith.addf %get3A_135, %add3A_137 : vector<16xf32>
      %mul3A_139 = arith.constant 5.000000e-01 : f32
      %mul3A_140 = vector.broadcast %mul3A_139 : f32 to vector<16xf32>
      %mul3A_141 = arith.mulf %add3A_138, %mul3A_140 : vector<16xf32>
      %convert_element_type3A_142 = arith.fptosi %mul3A_141 : vector<16xf32> to vector<16xi32>
      %add3A_143 = arith.addi %convert_element_type3A_142, %mul3A_130 : vector<16xi32>
      %add3A_144 = arith.constant 1 : i32
      %add3A_145 = arith.addi %mul3A_69, %add3A_144 : i32
      %add3A_146 = arith.constant 16 : i32
      %add3A_147 = arith.addi %add3A_145, %add3A_146 : i32
      %swap3A_148 = arith.index_cast %add3A_147 : i32 to index
      %swap3A_149 = tpu.vector_load %arg8[%swap3A_148] {strides = array<i32>} : memref<25744xi32, #tpu.memory_space<vmem>>, vector<16xi32>,
      %swap3A_150 = vector.shape_cast %swap3A_149 : vector<16xi32> to vector<16xi32>
      %swap3A_151 = vector.shape_cast %add3A_143 : vector<16xi32> to vector<16xi32>
      tpu.vector_store %arg8[%swap3A_148], %swap3A_151 {strides = array<i32>} : memref<25744xi32, #tpu.memory_space<vmem>>, vector<16xi32>,
      %swap3A_152 = arith.constant 16 : index
      %swap3A_153 = tpu.vector_load %arg14[%swap3A_152] {strides = array<i32>} : memref<216xi32, #tpu.memory_space<vmem>>, vector<16xi32>,
      %swap3A_154 = vector.shape_cast %swap3A_153 : vector<16xi32> to vector<16xi32>
      %swap3A_155 = vector.shape_cast %convert_element_type3A_142 : vector<16xi32> to vector<16xi32>
      tpu.vector_store %arg14[%swap3A_152], %swap3A_155 {strides = array<i32>} : memref<216xi32, #tpu.memory_space<vmem>>, vector<16xi32>,
      %add3A_156 = arith.constant 184 : i32
      %add3A_157 = arith.addi %add3A_67, %add3A_156 : i32
      %sub3A_158 = arith.constant 16 : i32
      %sub3A_159 = arith.subi %add3A_157, %sub3A_158 : i32
      %get3A_160 = arith.index_cast %sub3A_159 : i32 to index
      %get3A_161 = tpu.vector_load %arg7[%get3A_160] {strides = array<i32>} : memref<25624xf32, #tpu.memory_space<vmem>>, vector<16xf32>,
      %get3A_162 = vector.shape_cast %get3A_161 : vector<16xf32> to vector<16xf32>
      %rev3A_163 = arith.constant 15 : i32
      %rev3A_164 = vector.broadcast %rev3A_163 : i32 to vector<16xi32>
      %rev3A_165 = tpu.iota {dimensions = array<i32: 0>} : vector<16xi32>
      %rev3A_166 = arith.subi %rev3A_164, %rev3A_165 : vector<16xi32>
      %rev3A_167 = tpu.dynamic_gather %get3A_162[%rev3A_166] in [0] : vector<16xf32>, vector<16xi32> -> vector<16xf32>
      %add3A_168 = arith.constant 1.000000e+00 : f32
      %add3A_169 = vector.broadcast %add3A_168 : f32 to vector<16xf32>
      %add3A_170 = arith.addf %rev3A_167, %add3A_169 : vector<16xf32>
      %mul3A_171 = arith.constant 5.000000e-01 : f32
      %mul3A_172 = vector.broadcast %mul3A_171 : f32 to vector<16xf32>
      %mul3A_173 = arith.mulf %add3A_170, %mul3A_172 : vector<16xf32>
      %convert_element_type3A_174 = arith.fptosi %mul3A_173 : vector<16xf32> to vector<16xi32>
      %add3A_175 = arith.addi %convert_element_type3A_174, %mul3A_130 : vector<16xi32>
      %add3A_176 = arith.constant 1 : i32
      %add3A_177 = arith.addi %mul3A_69, %add3A_176 : i32
      %add3A_178 = arith.constant 16 : i32
      %add3A_179 = arith.addi %add3A_177, %add3A_178 : i32
      %swap3A_180 = arith.index_cast %add3A_179 : i32 to index
      %swap3A_181 = tpu.vector_load %arg9[%swap3A_180] {strides = array<i32>} : memref<25744xi32, #tpu.memory_space<vmem>>, vector<16xi32>,
      %swap3A_182 = vector.shape_cast %swap3A_181 : vector<16xi32> to vector<16xi32>
      %swap3A_183 = vector.shape_cast %add3A_175 : vector<16xi32> to vector<16xi32>
      tpu.vector_store %arg9[%swap3A_180], %swap3A_183 {strides = array<i32>} : memref<25744xi32, #tpu.memory_space<vmem>>, vector<16xi32>,
      %add3A_184 = arith.constant 33 : i32
      %add3A_185 = vector.broadcast %add3A_184 : i32 to vector<16xi32>
      %add3A_186 = arith.addi %iota3A, %add3A_185 : vector<16xi32>
      %mul3A_187 = arith.constant 3 : i32
      %mul3A_188 = vector.broadcast %mul3A_187 : i32 to vector<16xi32>
      %mul3A_189 = arith.muli %add3A_186, %mul3A_188 : vector<16xi32>
      %add3A_190 = arith.constant 32 : i32
      %add3A_191 = arith.addi %add3A_67, %add3A_190 : i32
      %get3A_192 = arith.index_cast %add3A_191 : i32 to index
      %get3A_193 = tpu.vector_load %arg7[%get3A_192] {strides = array<i32>} : memref<25624xf32, #tpu.memory_space<vmem>>, vector<16xf32>,
      %get3A_194 = vector.shape_cast %get3A_193 : vector<16xf32> to vector<16xf32>
      %add3A_195 = arith.constant 1.000000e+00 : f32
      %add3A_196 = vector.broadcast %add3A_195 : f32 to vector<16xf32>
      %add3A_197 = arith.addf %get3A_194, %add3A_196 : vector<16xf32>
      %mul3A_198 = arith.constant 5.000000e-01 : f32
      %mul3A_199 = vector.broadcast %mul3A_198 : f32 to vector<16xf32>
      %mul3A_200 = arith.mulf %add3A_197, %mul3A_199 : vector<16xf32>
      %convert_element_type3A_201 = arith.fptosi %mul3A_200 : vector<16xf32> to vector<16xi32>
      %add3A_202 = arith.addi %convert_element_type3A_201, %mul3A_189 : vector<16xi32>
      %add3A_203 = arith.constant 1 : i32
      %add3A_204 = arith.addi %mul3A_69, %add3A_203 : i32
      %add3A_205 = arith.constant 32 : i32
      %add3A_206 = arith.addi %add3A_204, %add3A_205 : i32
      %swap3A_207 = arith.index_cast %add3A_206 : i32 to index
      %swap3A_208 = tpu.vector_load %arg8[%swap3A_207] {strides = array<i32>} : memref<25744xi32, #tpu.memory_space<vmem>>, vector<16xi32>,
      %swap3A_209 = vector.shape_cast %swap3A_208 : vector<16xi32> to vector<16xi32>
      %swap3A_210 = vector.shape_cast %add3A_202 : vector<16xi32> to vector<16xi32>
      tpu.vector_store %arg8[%swap3A_207], %swap3A_210 {strides = array<i32>} : memref<25744xi32, #tpu.memory_space<vmem>>, vector<16xi32>,
      %swap3A_211 = arith.constant 32 : index
      %swap3A_212 = tpu.vector_load %arg14[%swap3A_211] {strides = array<i32>} : memref<216xi32, #tpu.memory_space<vmem>>, vector<16xi32>,
      %swap3A_213 = vector.shape_cast %swap3A_212 : vector<16xi32> to vector<16xi32>
      %swap3A_214 = vector.shape_cast %convert_element_type3A_201 : vector<16xi32> to vector<16xi32>
      tpu.vector_store %arg14[%swap3A_211], %swap3A_214 {strides = array<i32>} : memref<216xi32, #tpu.memory_space<vmem>>, vector<16xi32>,
      %add3A_215 = arith.constant 184 : i32
      %add3A_216 = arith.addi %add3A_67, %add3A_215 : i32
      %sub3A_217 = arith.constant 32 : i32
      %sub3A_218 = arith.subi %add3A_216, %sub3A_217 : i32
      %get3A_219 = arith.index_cast %sub3A_218 : i32 to index
      %get3A_220 = tpu.vector_load %arg7[%get3A_219] {strides = array<i32>} : memref<25624xf32, #tpu.memory_space<vmem>>, vector<16xf32>,
      %get3A_221 = vector.shape_cast %get3A_220 : vector<16xf32> to vector<16xf32>
      %rev3A_222 = arith.constant 15 : i32
      %rev3A_223 = vector.broadcast %rev3A_222 : i32 to vector<16xi32>
      %rev3A_224 = tpu.iota {dimensions = array<i32: 0>} : vector<16xi32>
      %rev3A_225 = arith.subi %rev3A_223, %rev3A_224 : vector<16xi32>
      %rev3A_226 = tpu.dynamic_gather %get3A_221[%rev3A_225] in [0] : vector<16xf32>, vector<16xi32> -> vector<16xf32>
      %add3A_227 = arith.constant 1.000000e+00 : f32
      %add3A_228 = vector.broadcast %add3A_227 : f32 to vector<16xf32>
      %add3A_229 = arith.addf %rev3A_226, %add3A_228 : vector<16xf32>
      %mul3A_230 = arith.constant 5.000000e-01 : f32
      %mul3A_231 = vector.broadcast %mul3A_230 : f32 to vector<16xf32>
      %mul3A_232 = arith.mulf %add3A_229, %mul3A_231 : vector<16xf32>
      %convert_element_type3A_233 = arith.fptosi %mul3A_232 : vector<16xf32> to vector<16xi32>
      %add3A_234 = arith.addi %convert_element_type3A_233, %mul3A_189 : vector<16xi32>
      %add3A_235 = arith.constant 1 : i32
      %add3A_236 = arith.addi %mul3A_69, %add3A_235 : i32
      %add3A_237 = arith.constant 32 : i32
      %add3A_238 = arith.addi %add3A_236, %add3A_237 : i32
      %swap3A_239 = arith.index_cast %add3A_238 : i32 to index
      %swap3A_240 = tpu.vector_load %arg9[%swap3A_239] {strides = array<i32>} : memref<25744xi32, #tpu.memory_space<vmem>>, vector<16xi32>,
      %swap3A_241 = vector.shape_cast %swap3A_240 : vector<16xi32> to vector<16xi32>
      %swap3A_242 = vector.shape_cast %add3A_234 : vector<16xi32> to vector<16xi32>
      tpu.vector_store %arg9[%swap3A_239], %swap3A_242 {strides = array<i32>} : memref<25744xi32, #tpu.memory_space<vmem>>, vector<16xi32>,
      %add3A_243 = arith.constant 49 : i32
      %add3A_244 = vector.broadcast %add3A_243 : i32 to vector<16xi32>
      %add3A_245 = arith.addi %iota3A, %add3A_244 : vector<16xi32>
      %mul3A_246 = arith.constant 3 : i32
      %mul3A_247 = vector.broadcast %mul3A_246 : i32 to vector<16xi32>
      %mul3A_248 = arith.muli %add3A_245, %mul3A_247 : vector<16xi32>
      %add3A_249 = arith.constant 48 : i32
      %add3A_250 = arith.addi %add3A_67, %add3A_249 : i32
      %get3A_251 = arith.index_cast %add3A_250 : i32 to index
      %get3A_252 = tpu.vector_load %arg7[%get3A_251] {strides = array<i32>} : memref<25624xf32, #tpu.memory_space<vmem>>, vector<16xf32>,
      %get3A_253 = vector.shape_cast %get3A_252 : vector<16xf32> to vector<16xf32>
      %add3A_254 = arith.constant 1.000000e+00 : f32
      %add3A_255 = vector.broadcast %add3A_254 : f32 to vector<16xf32>
      %add3A_256 = arith.addf %get3A_253, %add3A_255 : vector<16xf32>
      %mul3A_257 = arith.constant 5.000000e-01 : f32
      %mul3A_258 = vector.broadcast %mul3A_257 : f32 to vector<16xf32>
      %mul3A_259 = arith.mulf %add3A_256, %mul3A_258 : vector<16xf32>
      %convert_element_type3A_260 = arith.fptosi %mul3A_259 : vector<16xf32> to vector<16xi32>
      %add3A_261 = arith.addi %convert_element_type3A_260, %mul3A_248 : vector<16xi32>
      %add3A_262 = arith.constant 1 : i32
      %add3A_263 = arith.addi %mul3A_69, %add3A_262 : i32
      %add3A_264 = arith.constant 48 : i32
      %add3A_265 = arith.addi %add3A_263, %add3A_264 : i32
      %swap3A_266 = arith.index_cast %add3A_265 : i32 to index
      %swap3A_267 = tpu.vector_load %arg8[%swap3A_266] {strides = array<i32>} : memref<25744xi32, #tpu.memory_space<vmem>>, vector<16xi32>,
      %swap3A_268 = vector.shape_cast %swap3A_267 : vector<16xi32> to vector<16xi32>
      %swap3A_269 = vector.shape_cast %add3A_261 : vector<16xi32> to vector<16xi32>
      tpu.vector_store %arg8[%swap3A_266], %swap3A_269 {strides = array<i32>} : memref<25744xi32, #tpu.memory_space<vmem>>, vector<16xi32>,
      %swap3A_270 = arith.constant 48 : index
      %swap3A_271 = tpu.vector_load %arg14[%swap3A_270] {strides = array<i32>} : memref<216xi32, #tpu.memory_space<vmem>>, vector<16xi32>,
      %swap3A_272 = vector.shape_cast %swap3A_271 : vector<16xi32> to vector<16xi32>
      %swap3A_273 = vector.shape_cast %convert_element_type3A_260 : vector<16xi32> to vector<16xi32>
      tpu.vector_store %arg14[%swap3A_270], %swap3A_273 {strides = array<i32>} : memref<216xi32, #tpu.memory_space<vmem>>, vector<16xi32>,
      %add3A_274 = arith.constant 184 : i32
      %add3A_275 = arith.addi %add3A_67, %add3A_274 : i32
      %sub3A_276 = arith.constant 48 : i32
      %sub3A_277 = arith.subi %add3A_275, %sub3A_276 : i32
      %get3A_278 = arith.index_cast %sub3A_277 : i32 to index
      %get3A_279 = tpu.vector_load %arg7[%get3A_278] {strides = array<i32>} : memref<25624xf32, #tpu.memory_space<vmem>>, vector<16xf32>,
      %get3A_280 = vector.shape_cast %get3A_279 : vector<16xf32> to vector<16xf32>
      %rev3A_281 = arith.constant 15 : i32
      %rev3A_282 = vector.broadcast %rev3A_281 : i32 to vector<16xi32>
      %rev3A_283 = tpu.iota {dimensions = array<i32: 0>} : vector<16xi32>
      %rev3A_284 = arith.subi %rev3A_282, %rev3A_283 : vector<16xi32>
      %rev3A_285 = tpu.dynamic_gather %get3A_280[%rev3A_284] in [0] : vector<16xf32>, vector<16xi32> -> vector<16xf32>
      %add3A_286 = arith.constant 1.000000e+00 : f32
      %add3A_287 = vector.broadcast %add3A_286 : f32 to vector<16xf32>
      %add3A_288 = arith.addf %rev3A_285, %add3A_287 : vector<16xf32>
      %mul3A_289 = arith.constant 5.000000e-01 : f32
      %mul3A_290 = vector.broadcast %mul3A_289 : f32 to vector<16xf32>
      %mul3A_291 = arith.mulf %add3A_288, %mul3A_290 : vector<16xf32>
      %convert_element_type3A_292 = arith.fptosi %mul3A_291 : vector<16xf32> to vector<16xi32>
      %add3A_293 = arith.addi %convert_element_type3A_292, %mul3A_248 : vector<16xi32>
      %add3A_294 = arith.constant 1 : i32
      %add3A_295 = arith.addi %mul3A_69, %add3A_294 : i32
      %add3A_296 = arith.constant 48 : i32
      %add3A_297 = arith.addi %add3A_295, %add3A_296 : i32
      %swap3A_298 = arith.index_cast %add3A_297 : i32 to index
      %swap3A_299 = tpu.vector_load %arg9[%swap3A_298] {strides = array<i32>} : memref<25744xi32, #tpu.memory_space<vmem>>, vector<16xi32>,
      %swap3A_300 = vector.shape_cast %swap3A_299 : vector<16xi32> to vector<16xi32>
      %swap3A_301 = vector.shape_cast %add3A_293 : vector<16xi32> to vector<16xi32>
      tpu.vector_store %arg9[%swap3A_298], %swap3A_301 {strides = array<i32>} : memref<25744xi32, #tpu.memory_space<vmem>>, vector<16xi32>,
      %add3A_302 = arith.constant 65 : i32
      %add3A_303 = vector.broadcast %add3A_302 : i32 to vector<16xi32>
      %add3A_304 = arith.addi %iota3A, %add3A_303 : vector<16xi32>
      %mul3A_305 = arith.constant 3 : i32
      %mul3A_306 = vector.broadcast %mul3A_305 : i32 to vector<16xi32>
      %mul3A_307 = arith.muli %add3A_304, %mul3A_306 : vector<16xi32>
      %add3A_308 = arith.constant 64 : i32
      %add3A_309 = arith.addi %add3A_67, %add3A_308 : i32
      %get3A_310 = arith.index_cast %add3A_309 : i32 to index
      %get3A_311 = tpu.vector_load %arg7[%get3A_310] {strides = array<i32>} : memref<25624xf32, #tpu.memory_space<vmem>>, vector<16xf32>,
      %get3A_312 = vector.shape_cast %get3A_311 : vector<16xf32> to vector<16xf32>
      %add3A_313 = arith.constant 1.000000e+00 : f32
      %add3A_314 = vector.broadcast %add3A_313 : f32 to vector<16xf32>
      %add3A_315 = arith.addf %get3A_312, %add3A_314 : vector<16xf32>
      %mul3A_316 = arith.constant 5.000000e-01 : f32
      %mul3A_317 = vector.broadcast %mul3A_316 : f32 to vector<16xf32>
      %mul3A_318 = arith.mulf %add3A_315, %mul3A_317 : vector<16xf32>
      %convert_element_type3A_319 = arith.fptosi %mul3A_318 : vector<16xf32> to vector<16xi32>
      %add3A_320 = arith.addi %convert_element_type3A_319, %mul3A_307 : vector<16xi32>
      %add3A_321 = arith.constant 1 : i32
      %add3A_322 = arith.addi %mul3A_69, %add3A_321 : i32
      %add3A_323 = arith.constant 64 : i32
      %add3A_324 = arith.addi %add3A_322, %add3A_323 : i32
      %swap3A_325 = arith.index_cast %add3A_324 : i32 to index
      %swap3A_326 = tpu.vector_load %arg8[%swap3A_325] {strides = array<i32>} : memref<25744xi32, #tpu.memory_space<vmem>>, vector<16xi32>,
      %swap3A_327 = vector.shape_cast %swap3A_326 : vector<16xi32> to vector<16xi32>
      %swap3A_328 = vector.shape_cast %add3A_320 : vector<16xi32> to vector<16xi32>
      tpu.vector_store %arg8[%swap3A_325], %swap3A_328 {strides = array<i32>} : memref<25744xi32, #tpu.memory_space<vmem>>, vector<16xi32>,
      %swap3A_329 = arith.constant 64 : index
      %swap3A_330 = tpu.vector_load %arg14[%swap3A_329] {strides = array<i32>} : memref<216xi32, #tpu.memory_space<vmem>>, vector<16xi32>,
      %swap3A_331 = vector.shape_cast %swap3A_330 : vector<16xi32> to vector<16xi32>
      %swap3A_332 = vector.shape_cast %convert_element_type3A_319 : vector<16xi32> to vector<16xi32>
      tpu.vector_store %arg14[%swap3A_329], %swap3A_332 {strides = array<i32>} : memref<216xi32, #tpu.memory_space<vmem>>, vector<16xi32>,
      %add3A_333 = arith.constant 184 : i32
      %add3A_334 = arith.addi %add3A_67, %add3A_333 : i32
      %sub3A_335 = arith.constant 64 : i32
      %sub3A_336 = arith.subi %add3A_334, %sub3A_335 : i32
      %get3A_337 = arith.index_cast %sub3A_336 : i32 to index
      %get3A_338 = tpu.vector_load %arg7[%get3A_337] {strides = array<i32>} : memref<25624xf32, #tpu.memory_space<vmem>>, vector<16xf32>,
      %get3A_339 = vector.shape_cast %get3A_338 : vector<16xf32> to vector<16xf32>
      %rev3A_340 = arith.constant 15 : i32
      %rev3A_341 = vector.broadcast %rev3A_340 : i32 to vector<16xi32>
      %rev3A_342 = tpu.iota {dimensions = array<i32: 0>} : vector<16xi32>
      %rev3A_343 = arith.subi %rev3A_341, %rev3A_342 : vector<16xi32>
      %rev3A_344 = tpu.dynamic_gather %get3A_339[%rev3A_343] in [0] : vector<16xf32>, vector<16xi32> -> vector<16xf32>
      %add3A_345 = arith.constant 1.000000e+00 : f32
      %add3A_346 = vector.broadcast %add3A_345 : f32 to vector<16xf32>
      %add3A_347 = arith.addf %rev3A_344, %add3A_346 : vector<16xf32>
      %mul3A_348 = arith.constant 5.000000e-01 : f32
      %mul3A_349 = vector.broadcast %mul3A_348 : f32 to vector<16xf32>
      %mul3A_350 = arith.mulf %add3A_347, %mul3A_349 : vector<16xf32>
      %convert_element_type3A_351 = arith.fptosi %mul3A_350 : vector<16xf32> to vector<16xi32>
      %add3A_352 = arith.addi %convert_element_type3A_351, %mul3A_307 : vector<16xi32>
      %add3A_353 = arith.constant 1 : i32
      %add3A_354 = arith.addi %mul3A_69, %add3A_353 : i32
      %add3A_355 = arith.constant 64 : i32
      %add3A_356 = arith.addi %add3A_354, %add3A_355 : i32
      %swap3A_357 = arith.index_cast %add3A_356 : i32 to index
      %swap3A_358 = tpu.vector_load %arg9[%swap3A_357] {strides = array<i32>} : memref<25744xi32, #tpu.memory_space<vmem>>, vector<16xi32>,
      %swap3A_359 = vector.shape_cast %swap3A_358 : vector<16xi32> to vector<16xi32>
      %swap3A_360 = vector.shape_cast %add3A_352 : vector<16xi32> to vector<16xi32>
      tpu.vector_store %arg9[%swap3A_357], %swap3A_360 {strides = array<i32>} : memref<25744xi32, #tpu.memory_space<vmem>>, vector<16xi32>,
      %add3A_361 = arith.constant 81 : i32
      %add3A_362 = vector.broadcast %add3A_361 : i32 to vector<16xi32>
      %add3A_363 = arith.addi %iota3A, %add3A_362 : vector<16xi32>
      %mul3A_364 = arith.constant 3 : i32
      %mul3A_365 = vector.broadcast %mul3A_364 : i32 to vector<16xi32>
      %mul3A_366 = arith.muli %add3A_363, %mul3A_365 : vector<16xi32>
      %add3A_367 = arith.constant 80 : i32
      %add3A_368 = arith.addi %add3A_67, %add3A_367 : i32
      %get3A_369 = arith.index_cast %add3A_368 : i32 to index
      %get3A_370 = tpu.vector_load %arg7[%get3A_369] {strides = array<i32>} : memref<25624xf32, #tpu.memory_space<vmem>>, vector<16xf32>,
      %get3A_371 = vector.shape_cast %get3A_370 : vector<16xf32> to vector<16xf32>
      %add3A_372 = arith.constant 1.000000e+00 : f32
      %add3A_373 = vector.broadcast %add3A_372 : f32 to vector<16xf32>
      %add3A_374 = arith.addf %get3A_371, %add3A_373 : vector<16xf32>
      %mul3A_375 = arith.constant 5.000000e-01 : f32
      %mul3A_376 = vector.broadcast %mul3A_375 : f32 to vector<16xf32>
      %mul3A_377 = arith.mulf %add3A_374, %mul3A_376 : vector<16xf32>
      %convert_element_type3A_378 = arith.fptosi %mul3A_377 : vector<16xf32> to vector<16xi32>
      %add3A_379 = arith.addi %convert_element_type3A_378, %mul3A_366 : vector<16xi32>
      %add3A_380 = arith.constant 1 : i32
      %add3A_381 = arith.addi %mul3A_69, %add3A_380 : i32
      %add3A_382 = arith.constant 80 : i32
      %add3A_383 = arith.addi %add3A_381, %add3A_382 : i32
      %swap3A_384 = arith.index_cast %add3A_383 : i32 to index
      %swap3A_385 = tpu.vector_load %arg8[%swap3A_384] {strides = array<i32>} : memref<25744xi32, #tpu.memory_space<vmem>>, vector<16xi32>,
      %swap3A_386 = vector.shape_cast %swap3A_385 : vector<16xi32> to vector<16xi32>
      %swap3A_387 = vector.shape_cast %add3A_379 : vector<16xi32> to vector<16xi32>
      tpu.vector_store %arg8[%swap3A_384], %swap3A_387 {strides = array<i32>} : memref<25744xi32, #tpu.memory_space<vmem>>, vector<16xi32>,
      %swap3A_388 = arith.constant 80 : index
      %swap3A_389 = tpu.vector_load %arg14[%swap3A_388] {strides = array<i32>} : memref<216xi32, #tpu.memory_space<vmem>>, vector<16xi32>,
      %swap3A_390 = vector.shape_cast %swap3A_389 : vector<16xi32> to vector<16xi32>
      %swap3A_391 = vector.shape_cast %convert_element_type3A_378 : vector<16xi32> to vector<16xi32>
      tpu.vector_store %arg14[%swap3A_388], %swap3A_391 {strides = array<i32>} : memref<216xi32, #tpu.memory_space<vmem>>, vector<16xi32>,
      %add3A_392 = arith.constant 184 : i32
      %add3A_393 = arith.addi %add3A_67, %add3A_392 : i32
      %sub3A_394 = arith.constant 80 : i32
      %sub3A_395 = arith.subi %add3A_393, %sub3A_394 : i32
      %get3A_396 = arith.index_cast %sub3A_395 : i32 to index
      %get3A_397 = tpu.vector_load %arg7[%get3A_396] {strides = array<i32>} : memref<25624xf32, #tpu.memory_space<vmem>>, vector<16xf32>,
      %get3A_398 = vector.shape_cast %get3A_397 : vector<16xf32> to vector<16xf32>
      %rev3A_399 = arith.constant 15 : i32
      %rev3A_400 = vector.broadcast %rev3A_399 : i32 to vector<16xi32>
      %rev3A_401 = tpu.iota {dimensions = array<i32: 0>} : vector<16xi32>
      %rev3A_402 = arith.subi %rev3A_400, %rev3A_401 : vector<16xi32>
      %rev3A_403 = tpu.dynamic_gather %get3A_398[%rev3A_402] in [0] : vector<16xf32>, vector<16xi32> -> vector<16xf32>
      %add3A_404 = arith.constant 1.000000e+00 : f32
      %add3A_405 = vector.broadcast %add3A_404 : f32 to vector<16xf32>
      %add3A_406 = arith.addf %rev3A_403, %add3A_405 : vector<16xf32>
      %mul3A_407 = arith.constant 5.000000e-01 : f32
      %mul3A_408 = vector.broadcast %mul3A_407 : f32 to vector<16xf32>
      %mul3A_409 = arith.mulf %add3A_406, %mul3A_408 : vector<16xf32>
      %convert_element_type3A_410 = arith.fptosi %mul3A_409 : vector<16xf32> to vector<16xi32>
      %add3A_411 = arith.addi %convert_element_type3A_410, %mul3A_366 : vector<16xi32>
      %add3A_412 = arith.constant 1 : i32
      %add3A_413 = arith.addi %mul3A_69, %add3A_412 : i32
      %add3A_414 = arith.constant 80 : i32
      %add3A_415 = arith.addi %add3A_413, %add3A_414 : i32
      %swap3A_416 = arith.index_cast %add3A_415 : i32 to index
      %swap3A_417 = tpu.vector_load %arg9[%swap3A_416] {strides = array<i32>} : memref<25744xi32, #tpu.memory_space<vmem>>, vector<16xi32>,
      %swap3A_418 = vector.shape_cast %swap3A_417 : vector<16xi32> to vector<16xi32>
      %swap3A_419 = vector.shape_cast %add3A_411 : vector<16xi32> to vector<16xi32>
      tpu.vector_store %arg9[%swap3A_416], %swap3A_419 {strides = array<i32>} : memref<25744xi32, #tpu.memory_space<vmem>>, vector<16xi32>,
      %add3A_420 = arith.constant 97 : i32
      %add3A_421 = vector.broadcast %add3A_420 : i32 to vector<16xi32>
      %add3A_422 = arith.addi %iota3A, %add3A_421 : vector<16xi32>
      %mul3A_423 = arith.constant 3 : i32
      %mul3A_424 = vector.broadcast %mul3A_423 : i32 to vector<16xi32>
      %mul3A_425 = arith.muli %add3A_422, %mul3A_424 : vector<16xi32>
      %add3A_426 = arith.constant 96 : i32
      %add3A_427 = arith.addi %add3A_67, %add3A_426 : i32
      %get3A_428 = arith.index_cast %add3A_427 : i32 to index
      %get3A_429 = tpu.vector_load %arg7[%get3A_428] {strides = array<i32>} : memref<25624xf32, #tpu.memory_space<vmem>>, vector<16xf32>,
      %get3A_430 = vector.shape_cast %get3A_429 : vector<16xf32> to vector<16xf32>
      %add3A_431 = arith.constant 1.000000e+00 : f32
      %add3A_432 = vector.broadcast %add3A_431 : f32 to vector<16xf32>
      %add3A_433 = arith.addf %get3A_430, %add3A_432 : vector<16xf32>
      %mul3A_434 = arith.constant 5.000000e-01 : f32
      %mul3A_435 = vector.broadcast %mul3A_434 : f32 to vector<16xf32>
      %mul3A_436 = arith.mulf %add3A_433, %mul3A_435 : vector<16xf32>
      %convert_element_type3A_437 = arith.fptosi %mul3A_436 : vector<16xf32> to vector<16xi32>
      %add3A_438 = arith.addi %convert_element_type3A_437, %mul3A_425 : vector<16xi32>
      %add3A_439 = arith.constant 1 : i32
      %add3A_440 = arith.addi %mul3A_69, %add3A_439 : i32
      %add3A_441 = arith.constant 96 : i32
      %add3A_442 = arith.addi %add3A_440, %add3A_441 : i32
      %swap3A_443 = arith.index_cast %add3A_442 : i32 to index
      %swap3A_444 = tpu.vector_load %arg8[%swap3A_443] {strides = array<i32>} : memref<25744xi32, #tpu.memory_space<vmem>>, vector<16xi32>,
      %swap3A_445 = vector.shape_cast %swap3A_444 : vector<16xi32> to vector<16xi32>
      %swap3A_446 = vector.shape_cast %add3A_438 : vector<16xi32> to vector<16xi32>
      tpu.vector_store %arg8[%swap3A_443], %swap3A_446 {strides = array<i32>} : memref<25744xi32, #tpu.memory_space<vmem>>, vector<16xi32>,
      %swap3A_447 = arith.constant 96 : index
      %swap3A_448 = tpu.vector_load %arg14[%swap3A_447] {strides = array<i32>} : memref<216xi32, #tpu.memory_space<vmem>>, vector<16xi32>,
      %swap3A_449 = vector.shape_cast %swap3A_448 : vector<16xi32> to vector<16xi32>
      %swap3A_450 = vector.shape_cast %convert_element_type3A_437 : vector<16xi32> to vector<16xi32>
      tpu.vector_store %arg14[%swap3A_447], %swap3A_450 {strides = array<i32>} : memref<216xi32, #tpu.memory_space<vmem>>, vector<16xi32>,
      %add3A_451 = arith.constant 184 : i32
      %add3A_452 = arith.addi %add3A_67, %add3A_451 : i32
      %sub3A_453 = arith.constant 96 : i32
      %sub3A_454 = arith.subi %add3A_452, %sub3A_453 : i32
      %get3A_455 = arith.index_cast %sub3A_454 : i32 to index
      %get3A_456 = tpu.vector_load %arg7[%get3A_455] {strides = array<i32>} : memref<25624xf32, #tpu.memory_space<vmem>>, vector<16xf32>,
      %get3A_457 = vector.shape_cast %get3A_456 : vector<16xf32> to vector<16xf32>
      %rev3A_458 = arith.constant 15 : i32
      %rev3A_459 = vector.broadcast %rev3A_458 : i32 to vector<16xi32>
      %rev3A_460 = tpu.iota {dimensions = array<i32: 0>} : vector<16xi32>
      %rev3A_461 = arith.subi %rev3A_459, %rev3A_460 : vector<16xi32>
      %rev3A_462 = tpu.dynamic_gather %get3A_457[%rev3A_461] in [0] : vector<16xf32>, vector<16xi32> -> vector<16xf32>
      %add3A_463 = arith.constant 1.000000e+00 : f32
      %add3A_464 = vector.broadcast %add3A_463 : f32 to vector<16xf32>
      %add3A_465 = arith.addf %rev3A_462, %add3A_464 : vector<16xf32>
      %mul3A_466 = arith.constant 5.000000e-01 : f32
      %mul3A_467 = vector.broadcast %mul3A_466 : f32 to vector<16xf32>
      %mul3A_468 = arith.mulf %add3A_465, %mul3A_467 : vector<16xf32>
      %convert_element_type3A_469 = arith.fptosi %mul3A_468 : vector<16xf32> to vector<16xi32>
      %add3A_470 = arith.addi %convert_element_type3A_469, %mul3A_425 : vector<16xi32>
      %add3A_471 = arith.constant 1 : i32
      %add3A_472 = arith.addi %mul3A_69, %add3A_471 : i32
      %add3A_473 = arith.constant 96 : i32
      %add3A_474 = arith.addi %add3A_472, %add3A_473 : i32
      %swap3A_475 = arith.index_cast %add3A_474 : i32 to index
      %swap3A_476 = tpu.vector_load %arg9[%swap3A_475] {strides = array<i32>} : memref<25744xi32, #tpu.memory_space<vmem>>, vector<16xi32>,
      %swap3A_477 = vector.shape_cast %swap3A_476 : vector<16xi32> to vector<16xi32>
      %swap3A_478 = vector.shape_cast %add3A_470 : vector<16xi32> to vector<16xi32>
      tpu.vector_store %arg9[%swap3A_475], %swap3A_478 {strides = array<i32>} : memref<25744xi32, #tpu.memory_space<vmem>>, vector<16xi32>,
      %add3A_479 = arith.constant 113 : i32
      %add3A_480 = vector.broadcast %add3A_479 : i32 to vector<16xi32>
      %add3A_481 = arith.addi %iota3A, %add3A_480 : vector<16xi32>
      %mul3A_482 = arith.constant 3 : i32
      %mul3A_483 = vector.broadcast %mul3A_482 : i32 to vector<16xi32>
      %mul3A_484 = arith.muli %add3A_481, %mul3A_483 : vector<16xi32>
      %add3A_485 = arith.constant 112 : i32
      %add3A_486 = arith.addi %add3A_67, %add3A_485 : i32
      %get3A_487 = arith.index_cast %add3A_486 : i32 to index
      %get3A_488 = tpu.vector_load %arg7[%get3A_487] {strides = array<i32>} : memref<25624xf32, #tpu.memory_space<vmem>>, vector<16xf32>,
      %get3A_489 = vector.shape_cast %get3A_488 : vector<16xf32> to vector<16xf32>
      %add3A_490 = arith.constant 1.000000e+00 : f32
      %add3A_491 = vector.broadcast %add3A_490 : f32 to vector<16xf32>
      %add3A_492 = arith.addf %get3A_489, %add3A_491 : vector<16xf32>
      %mul3A_493 = arith.constant 5.000000e-01 : f32
      %mul3A_494 = vector.broadcast %mul3A_493 : f32 to vector<16xf32>
      %mul3A_495 = arith.mulf %add3A_492, %mul3A_494 : vector<16xf32>
      %convert_element_type3A_496 = arith.fptosi %mul3A_495 : vector<16xf32> to vector<16xi32>
      %add3A_497 = arith.addi %convert_element_type3A_496, %mul3A_484 : vector<16xi32>
      %add3A_498 = arith.constant 1 : i32
      %add3A_499 = arith.addi %mul3A_69, %add3A_498 : i32
      %add3A_500 = arith.constant 112 : i32
      %add3A_501 = arith.addi %add3A_499, %add3A_500 : i32
      %swap3A_502 = arith.index_cast %add3A_501 : i32 to index
      %swap3A_503 = tpu.vector_load %arg8[%swap3A_502] {strides = array<i32>} : memref<25744xi32, #tpu.memory_space<vmem>>, vector<16xi32>,
      %swap3A_504 = vector.shape_cast %swap3A_503 : vector<16xi32> to vector<16xi32>
      %swap3A_505 = vector.shape_cast %add3A_497 : vector<16xi32> to vector<16xi32>
      tpu.vector_store %arg8[%swap3A_502], %swap3A_505 {strides = array<i32>} : memref<25744xi32, #tpu.memory_space<vmem>>, vector<16xi32>,
      %swap3A_506 = arith.constant 112 : index
      %swap3A_507 = tpu.vector_load %arg14[%swap3A_506] {strides = array<i32>} : memref<216xi32, #tpu.memory_space<vmem>>, vector<16xi32>,
      %swap3A_508 = vector.shape_cast %swap3A_507 : vector<16xi32> to vector<16xi32>
      %swap3A_509 = vector.shape_cast %convert_element_type3A_496 : vector<16xi32> to vector<16xi32>
      tpu.vector_store %arg14[%swap3A_506], %swap3A_509 {strides = array<i32>} : memref<216xi32, #tpu.memory_space<vmem>>, vector<16xi32>,
      %add3A_510 = arith.constant 184 : i32
      %add3A_511 = arith.addi %add3A_67, %add3A_510 : i32
      %sub3A_512 = arith.constant 112 : i32
      %sub3A_513 = arith.subi %add3A_511, %sub3A_512 : i32
      %get3A_514 = arith.index_cast %sub3A_513 : i32 to index
      %get3A_515 = tpu.vector_load %arg7[%get3A_514] {strides = array<i32>} : memref<25624xf32, #tpu.memory_space<vmem>>, vector<16xf32>,
      %get3A_516 = vector.shape_cast %get3A_515 : vector<16xf32> to vector<16xf32>
      %rev3A_517 = arith.constant 15 : i32
      %rev3A_518 = vector.broadcast %rev3A_517 : i32 to vector<16xi32>
      %rev3A_519 = tpu.iota {dimensions = array<i32: 0>} : vector<16xi32>
      %rev3A_520 = arith.subi %rev3A_518, %rev3A_519 : vector<16xi32>
      %rev3A_521 = tpu.dynamic_gather %get3A_516[%rev3A_520] in [0] : vector<16xf32>, vector<16xi32> -> vector<16xf32>
      %add3A_522 = arith.constant 1.000000e+00 : f32
      %add3A_523 = vector.broadcast %add3A_522 : f32 to vector<16xf32>
      %add3A_524 = arith.addf %rev3A_521, %add3A_523 : vector<16xf32>
      %mul3A_525 = arith.constant 5.000000e-01 : f32
      %mul3A_526 = vector.broadcast %mul3A_525 : f32 to vector<16xf32>
      %mul3A_527 = arith.mulf %add3A_524, %mul3A_526 : vector<16xf32>
      %convert_element_type3A_528 = arith.fptosi %mul3A_527 : vector<16xf32> to vector<16xi32>
      %add3A_529 = arith.addi %convert_element_type3A_528, %mul3A_484 : vector<16xi32>
      %add3A_530 = arith.constant 1 : i32
      %add3A_531 = arith.addi %mul3A_69, %add3A_530 : i32
      %add3A_532 = arith.constant 112 : i32
      %add3A_533 = arith.addi %add3A_531, %add3A_532 : i32
      %swap3A_534 = arith.index_cast %add3A_533 : i32 to index
      %swap3A_535 = tpu.vector_load %arg9[%swap3A_534] {strides = array<i32>} : memref<25744xi32, #tpu.memory_space<vmem>>, vector<16xi32>,
      %swap3A_536 = vector.shape_cast %swap3A_535 : vector<16xi32> to vector<16xi32>
      %swap3A_537 = vector.shape_cast %add3A_529 : vector<16xi32> to vector<16xi32>
      tpu.vector_store %arg9[%swap3A_534], %swap3A_537 {strides = array<i32>} : memref<25744xi32, #tpu.memory_space<vmem>>, vector<16xi32>,
      %add3A_538 = arith.constant 129 : i32
      %add3A_539 = vector.broadcast %add3A_538 : i32 to vector<16xi32>
      %add3A_540 = arith.addi %iota3A, %add3A_539 : vector<16xi32>
      %mul3A_541 = arith.constant 3 : i32
      %mul3A_542 = vector.broadcast %mul3A_541 : i32 to vector<16xi32>
      %mul3A_543 = arith.muli %add3A_540, %mul3A_542 : vector<16xi32>
      %add3A_544 = arith.constant 128 : i32
      %add3A_545 = arith.addi %add3A_67, %add3A_544 : i32
      %get3A_546 = arith.index_cast %add3A_545 : i32 to index
      %get3A_547 = tpu.vector_load %arg7[%get3A_546] {strides = array<i32>} : memref<25624xf32, #tpu.memory_space<vmem>>, vector<16xf32>,
      %get3A_548 = vector.shape_cast %get3A_547 : vector<16xf32> to vector<16xf32>
      %add3A_549 = arith.constant 1.000000e+00 : f32
      %add3A_550 = vector.broadcast %add3A_549 : f32 to vector<16xf32>
      %add3A_551 = arith.addf %get3A_548, %add3A_550 : vector<16xf32>
      %mul3A_552 = arith.constant 5.000000e-01 : f32
      %mul3A_553 = vector.broadcast %mul3A_552 : f32 to vector<16xf32>
      %mul3A_554 = arith.mulf %add3A_551, %mul3A_553 : vector<16xf32>
      %convert_element_type3A_555 = arith.fptosi %mul3A_554 : vector<16xf32> to vector<16xi32>
      %add3A_556 = arith.addi %convert_element_type3A_555, %mul3A_543 : vector<16xi32>
      %add3A_557 = arith.constant 1 : i32
      %add3A_558 = arith.addi %mul3A_69, %add3A_557 : i32
      %add3A_559 = arith.constant 128 : i32
      %add3A_560 = arith.addi %add3A_558, %add3A_559 : i32
      %swap3A_561 = arith.index_cast %add3A_560 : i32 to index
      %swap3A_562 = tpu.vector_load %arg8[%swap3A_561] {strides = array<i32>} : memref<25744xi32, #tpu.memory_space<vmem>>, vector<16xi32>,
      %swap3A_563 = vector.shape_cast %swap3A_562 : vector<16xi32> to vector<16xi32>
      %swap3A_564 = vector.shape_cast %add3A_556 : vector<16xi32> to vector<16xi32>
      tpu.vector_store %arg8[%swap3A_561], %swap3A_564 {strides = array<i32>} : memref<25744xi32, #tpu.memory_space<vmem>>, vector<16xi32>,
      %swap3A_565 = arith.constant 128 : index
      %swap3A_566 = tpu.vector_load %arg14[%swap3A_565] {strides = array<i32>} : memref<216xi32, #tpu.memory_space<vmem>>, vector<16xi32>,
      %swap3A_567 = vector.shape_cast %swap3A_566 : vector<16xi32> to vector<16xi32>
      %swap3A_568 = vector.shape_cast %convert_element_type3A_555 : vector<16xi32> to vector<16xi32>
      tpu.vector_store %arg14[%swap3A_565], %swap3A_568 {strides = array<i32>} : memref<216xi32, #tpu.memory_space<vmem>>, vector<16xi32>,
      %add3A_569 = arith.constant 184 : i32
      %add3A_570 = arith.addi %add3A_67, %add3A_569 : i32
      %sub3A_571 = arith.constant 128 : i32
      %sub3A_572 = arith.subi %add3A_570, %sub3A_571 : i32
      %get3A_573 = arith.index_cast %sub3A_572 : i32 to index
      %get3A_574 = tpu.vector_load %arg7[%get3A_573] {strides = array<i32>} : memref<25624xf32, #tpu.memory_space<vmem>>, vector<16xf32>,
      %get3A_575 = vector.shape_cast %get3A_574 : vector<16xf32> to vector<16xf32>
      %rev3A_576 = arith.constant 15 : i32
      %rev3A_577 = vector.broadcast %rev3A_576 : i32 to vector<16xi32>
      %rev3A_578 = tpu.iota {dimensions = array<i32: 0>} : vector<16xi32>
      %rev3A_579 = arith.subi %rev3A_577, %rev3A_578 : vector<16xi32>
      %rev3A_580 = tpu.dynamic_gather %get3A_575[%rev3A_579] in [0] : vector<16xf32>, vector<16xi32> -> vector<16xf32>
      %add3A_581 = arith.constant 1.000000e+00 : f32
      %add3A_582 = vector.broadcast %add3A_581 : f32 to vector<16xf32>
      %add3A_583 = arith.addf %rev3A_580, %add3A_582 : vector<16xf32>
      %mul3A_584 = arith.constant 5.000000e-01 : f32
      %mul3A_585 = vector.broadcast %mul3A_584 : f32 to vector<16xf32>
      %mul3A_586 = arith.mulf %add3A_583, %mul3A_585 : vector<16xf32>
      %convert_element_type3A_587 = arith.fptosi %mul3A_586 : vector<16xf32> to vector<16xi32>
      %add3A_588 = arith.addi %convert_element_type3A_587, %mul3A_543 : vector<16xi32>
      %add3A_589 = arith.constant 1 : i32
      %add3A_590 = arith.addi %mul3A_69, %add3A_589 : i32
      %add3A_591 = arith.constant 128 : i32
      %add3A_592 = arith.addi %add3A_590, %add3A_591 : i32
      %swap3A_593 = arith.index_cast %add3A_592 : i32 to index
      %swap3A_594 = tpu.vector_load %arg9[%swap3A_593] {strides = array<i32>} : memref<25744xi32, #tpu.memory_space<vmem>>, vector<16xi32>,
      %swap3A_595 = vector.shape_cast %swap3A_594 : vector<16xi32> to vector<16xi32>
      %swap3A_596 = vector.shape_cast %add3A_588 : vector<16xi32> to vector<16xi32>
      tpu.vector_store %arg9[%swap3A_593], %swap3A_596 {strides = array<i32>} : memref<25744xi32, #tpu.memory_space<vmem>>, vector<16xi32>,
      %add3A_597 = arith.constant 145 : i32
      %add3A_598 = vector.broadcast %add3A_597 : i32 to vector<16xi32>
      %add3A_599 = arith.addi %iota3A, %add3A_598 : vector<16xi32>
      %mul3A_600 = arith.constant 3 : i32
      %mul3A_601 = vector.broadcast %mul3A_600 : i32 to vector<16xi32>
      %mul3A_602 = arith.muli %add3A_599, %mul3A_601 : vector<16xi32>
      %add3A_603 = arith.constant 144 : i32
      %add3A_604 = arith.addi %add3A_67, %add3A_603 : i32
      %get3A_605 = arith.index_cast %add3A_604 : i32 to index
      %get3A_606 = tpu.vector_load %arg7[%get3A_605] {strides = array<i32>} : memref<25624xf32, #tpu.memory_space<vmem>>, vector<16xf32>,
      %get3A_607 = vector.shape_cast %get3A_606 : vector<16xf32> to vector<16xf32>
      %add3A_608 = arith.constant 1.000000e+00 : f32
      %add3A_609 = vector.broadcast %add3A_608 : f32 to vector<16xf32>
      %add3A_610 = arith.addf %get3A_607, %add3A_609 : vector<16xf32>
      %mul3A_611 = arith.constant 5.000000e-01 : f32
      %mul3A_612 = vector.broadcast %mul3A_611 : f32 to vector<16xf32>
      %mul3A_613 = arith.mulf %add3A_610, %mul3A_612 : vector<16xf32>
      %convert_element_type3A_614 = arith.fptosi %mul3A_613 : vector<16xf32> to vector<16xi32>
      %add3A_615 = arith.addi %convert_element_type3A_614, %mul3A_602 : vector<16xi32>
      %add3A_616 = arith.constant 1 : i32
      %add3A_617 = arith.addi %mul3A_69, %add3A_616 : i32
      %add3A_618 = arith.constant 144 : i32
      %add3A_619 = arith.addi %add3A_617, %add3A_618 : i32
      %swap3A_620 = arith.index_cast %add3A_619 : i32 to index
      %swap3A_621 = tpu.vector_load %arg8[%swap3A_620] {strides = array<i32>} : memref<25744xi32, #tpu.memory_space<vmem>>, vector<16xi32>,
      %swap3A_622 = vector.shape_cast %swap3A_621 : vector<16xi32> to vector<16xi32>
      %swap3A_623 = vector.shape_cast %add3A_615 : vector<16xi32> to vector<16xi32>
      tpu.vector_store %arg8[%swap3A_620], %swap3A_623 {strides = array<i32>} : memref<25744xi32, #tpu.memory_space<vmem>>, vector<16xi32>,
      %swap3A_624 = arith.constant 144 : index
      %swap3A_625 = tpu.vector_load %arg14[%swap3A_624] {strides = array<i32>} : memref<216xi32, #tpu.memory_space<vmem>>, vector<16xi32>,
      %swap3A_626 = vector.shape_cast %swap3A_625 : vector<16xi32> to vector<16xi32>
      %swap3A_627 = vector.shape_cast %convert_element_type3A_614 : vector<16xi32> to vector<16xi32>
      tpu.vector_store %arg14[%swap3A_624], %swap3A_627 {strides = array<i32>} : memref<216xi32, #tpu.memory_space<vmem>>, vector<16xi32>,
      %add3A_628 = arith.constant 184 : i32
      %add3A_629 = arith.addi %add3A_67, %add3A_628 : i32
      %sub3A_630 = arith.constant 144 : i32
      %sub3A_631 = arith.subi %add3A_629, %sub3A_630 : i32
      %get3A_632 = arith.index_cast %sub3A_631 : i32 to index
      %get3A_633 = tpu.vector_load %arg7[%get3A_632] {strides = array<i32>} : memref<25624xf32, #tpu.memory_space<vmem>>, vector<16xf32>,
      %get3A_634 = vector.shape_cast %get3A_633 : vector<16xf32> to vector<16xf32>
      %rev3A_635 = arith.constant 15 : i32
      %rev3A_636 = vector.broadcast %rev3A_635 : i32 to vector<16xi32>
      %rev3A_637 = tpu.iota {dimensions = array<i32: 0>} : vector<16xi32>
      %rev3A_638 = arith.subi %rev3A_636, %rev3A_637 : vector<16xi32>
      %rev3A_639 = tpu.dynamic_gather %get3A_634[%rev3A_638] in [0] : vector<16xf32>, vector<16xi32> -> vector<16xf32>
      %add3A_640 = arith.constant 1.000000e+00 : f32
      %add3A_641 = vector.broadcast %add3A_640 : f32 to vector<16xf32>
      %add3A_642 = arith.addf %rev3A_639, %add3A_641 : vector<16xf32>
      %mul3A_643 = arith.constant 5.000000e-01 : f32
      %mul3A_644 = vector.broadcast %mul3A_643 : f32 to vector<16xf32>
      %mul3A_645 = arith.mulf %add3A_642, %mul3A_644 : vector<16xf32>
      %convert_element_type3A_646 = arith.fptosi %mul3A_645 : vector<16xf32> to vector<16xi32>
      %add3A_647 = arith.addi %convert_element_type3A_646, %mul3A_602 : vector<16xi32>
      %add3A_648 = arith.constant 1 : i32
      %add3A_649 = arith.addi %mul3A_69, %add3A_648 : i32
      %add3A_650 = arith.constant 144 : i32
      %add3A_651 = arith.addi %add3A_649, %add3A_650 : i32
      %swap3A_652 = arith.index_cast %add3A_651 : i32 to index
      %swap3A_653 = tpu.vector_load %arg9[%swap3A_652] {strides = array<i32>} : memref<25744xi32, #tpu.memory_space<vmem>>, vector<16xi32>,
      %swap3A_654 = vector.shape_cast %swap3A_653 : vector<16xi32> to vector<16xi32>
      %swap3A_655 = vector.shape_cast %add3A_647 : vector<16xi32> to vector<16xi32>
      tpu.vector_store %arg9[%swap3A_652], %swap3A_655 {strides = array<i32>} : memref<25744xi32, #tpu.memory_space<vmem>>, vector<16xi32>,
      %add3A_656 = arith.constant 161 : i32
      %add3A_657 = vector.broadcast %add3A_656 : i32 to vector<16xi32>
      %add3A_658 = arith.addi %iota3A, %add3A_657 : vector<16xi32>
      %mul3A_659 = arith.constant 3 : i32
      %mul3A_660 = vector.broadcast %mul3A_659 : i32 to vector<16xi32>
      %mul3A_661 = arith.muli %add3A_658, %mul3A_660 : vector<16xi32>
      %add3A_662 = arith.constant 160 : i32
      %add3A_663 = arith.addi %add3A_67, %add3A_662 : i32
      %get3A_664 = arith.index_cast %add3A_663 : i32 to index
      %get3A_665 = tpu.vector_load %arg7[%get3A_664] {strides = array<i32>} : memref<25624xf32, #tpu.memory_space<vmem>>, vector<16xf32>,
      %get3A_666 = vector.shape_cast %get3A_665 : vector<16xf32> to vector<16xf32>
      %add3A_667 = arith.constant 1.000000e+00 : f32
      %add3A_668 = vector.broadcast %add3A_667 : f32 to vector<16xf32>
      %add3A_669 = arith.addf %get3A_666, %add3A_668 : vector<16xf32>
      %mul3A_670 = arith.constant 5.000000e-01 : f32
      %mul3A_671 = vector.broadcast %mul3A_670 : f32 to vector<16xf32>
      %mul3A_672 = arith.mulf %add3A_669, %mul3A_671 : vector<16xf32>
      %convert_element_type3A_673 = arith.fptosi %mul3A_672 : vector<16xf32> to vector<16xi32>
      %add3A_674 = arith.addi %convert_element_type3A_673, %mul3A_661 : vector<16xi32>
      %add3A_675 = arith.constant 1 : i32
      %add3A_676 = arith.addi %mul3A_69, %add3A_675 : i32
      %add3A_677 = arith.constant 160 : i32
      %add3A_678 = arith.addi %add3A_676, %add3A_677 : i32
      %swap3A_679 = arith.index_cast %add3A_678 : i32 to index
      %swap3A_680 = tpu.vector_load %arg8[%swap3A_679] {strides = array<i32>} : memref<25744xi32, #tpu.memory_space<vmem>>, vector<16xi32>,
      %swap3A_681 = vector.shape_cast %swap3A_680 : vector<16xi32> to vector<16xi32>
      %swap3A_682 = vector.shape_cast %add3A_674 : vector<16xi32> to vector<16xi32>
      tpu.vector_store %arg8[%swap3A_679], %swap3A_682 {strides = array<i32>} : memref<25744xi32, #tpu.memory_space<vmem>>, vector<16xi32>,
      %swap3A_683 = arith.constant 160 : index
      %swap3A_684 = tpu.vector_load %arg14[%swap3A_683] {strides = array<i32>} : memref<216xi32, #tpu.memory_space<vmem>>, vector<16xi32>,
      %swap3A_685 = vector.shape_cast %swap3A_684 : vector<16xi32> to vector<16xi32>
      %swap3A_686 = vector.shape_cast %convert_element_type3A_673 : vector<16xi32> to vector<16xi32>
      tpu.vector_store %arg14[%swap3A_683], %swap3A_686 {strides = array<i32>} : memref<216xi32, #tpu.memory_space<vmem>>, vector<16xi32>,
      %add3A_687 = arith.constant 184 : i32
      %add3A_688 = arith.addi %add3A_67, %add3A_687 : i32
      %sub3A_689 = arith.constant 160 : i32
      %sub3A_690 = arith.subi %add3A_688, %sub3A_689 : i32
      %get3A_691 = arith.index_cast %sub3A_690 : i32 to index
      %get3A_692 = tpu.vector_load %arg7[%get3A_691] {strides = array<i32>} : memref<25624xf32, #tpu.memory_space<vmem>>, vector<16xf32>,
      %get3A_693 = vector.shape_cast %get3A_692 : vector<16xf32> to vector<16xf32>
      %rev3A_694 = arith.constant 15 : i32
      %rev3A_695 = vector.broadcast %rev3A_694 : i32 to vector<16xi32>
      %rev3A_696 = tpu.iota {dimensions = array<i32: 0>} : vector<16xi32>
      %rev3A_697 = arith.subi %rev3A_695, %rev3A_696 : vector<16xi32>
      %rev3A_698 = tpu.dynamic_gather %get3A_693[%rev3A_697] in [0] : vector<16xf32>, vector<16xi32> -> vector<16xf32>
      %add3A_699 = arith.constant 1.000000e+00 : f32
      %add3A_700 = vector.broadcast %add3A_699 : f32 to vector<16xf32>
      %add3A_701 = arith.addf %rev3A_698, %add3A_700 : vector<16xf32>
      %mul3A_702 = arith.constant 5.000000e-01 : f32
      %mul3A_703 = vector.broadcast %mul3A_702 : f32 to vector<16xf32>
      %mul3A_704 = arith.mulf %add3A_701, %mul3A_703 : vector<16xf32>
      %convert_element_type3A_705 = arith.fptosi %mul3A_704 : vector<16xf32> to vector<16xi32>
      %add3A_706 = arith.addi %convert_element_type3A_705, %mul3A_661 : vector<16xi32>
      %add3A_707 = arith.constant 1 : i32
      %add3A_708 = arith.addi %mul3A_69, %add3A_707 : i32
      %add3A_709 = arith.constant 160 : i32
      %add3A_710 = arith.addi %add3A_708, %add3A_709 : i32
      %swap3A_711 = arith.index_cast %add3A_710 : i32 to index
      %swap3A_712 = tpu.vector_load %arg9[%swap3A_711] {strides = array<i32>} : memref<25744xi32, #tpu.memory_space<vmem>>, vector<16xi32>,
      %swap3A_713 = vector.shape_cast %swap3A_712 : vector<16xi32> to vector<16xi32>
      %swap3A_714 = vector.shape_cast %add3A_706 : vector<16xi32> to vector<16xi32>
      tpu.vector_store %arg9[%swap3A_711], %swap3A_714 {strides = array<i32>} : memref<25744xi32, #tpu.memory_space<vmem>>, vector<16xi32>,
      %add3A_715 = arith.constant 177 : i32
      %add3A_716 = vector.broadcast %add3A_715 : i32 to vector<16xi32>
      %add3A_717 = arith.addi %iota3A, %add3A_716 : vector<16xi32>
      %mul3A_718 = arith.constant 3 : i32
      %mul3A_719 = vector.broadcast %mul3A_718 : i32 to vector<16xi32>
      %mul3A_720 = arith.muli %add3A_717, %mul3A_719 : vector<16xi32>
      %add3A_721 = arith.constant 176 : i32
      %add3A_722 = arith.addi %add3A_67, %add3A_721 : i32
      %get3A_723 = arith.index_cast %add3A_722 : i32 to index
      %get3A_724 = tpu.vector_load %arg7[%get3A_723] {strides = array<i32>} : memref<25624xf32, #tpu.memory_space<vmem>>, vector<16xf32>,
      %get3A_725 = vector.shape_cast %get3A_724 : vector<16xf32> to vector<16xf32>
      %add3A_726 = arith.constant 1.000000e+00 : f32
      %add3A_727 = vector.broadcast %add3A_726 : f32 to vector<16xf32>
      %add3A_728 = arith.addf %get3A_725, %add3A_727 : vector<16xf32>
      %mul3A_729 = arith.constant 5.000000e-01 : f32
      %mul3A_730 = vector.broadcast %mul3A_729 : f32 to vector<16xf32>
      %mul3A_731 = arith.mulf %add3A_728, %mul3A_730 : vector<16xf32>
      %convert_element_type3A_732 = arith.fptosi %mul3A_731 : vector<16xf32> to vector<16xi32>
      %add3A_733 = arith.addi %convert_element_type3A_732, %mul3A_720 : vector<16xi32>
      %add3A_734 = arith.constant 1 : i32
      %add3A_735 = arith.addi %mul3A_69, %add3A_734 : i32
      %add3A_736 = arith.constant 176 : i32
      %add3A_737 = arith.addi %add3A_735, %add3A_736 : i32
      %swap3A_738 = arith.index_cast %add3A_737 : i32 to index
      %swap3A_739 = tpu.vector_load %arg8[%swap3A_738] {strides = array<i32>} : memref<25744xi32, #tpu.memory_space<vmem>>, vector<16xi32>,
      %swap3A_740 = vector.shape_cast %swap3A_739 : vector<16xi32> to vector<16xi32>
      %swap3A_741 = vector.shape_cast %add3A_733 : vector<16xi32> to vector<16xi32>
      tpu.vector_store %arg8[%swap3A_738], %swap3A_741 {strides = array<i32>} : memref<25744xi32, #tpu.memory_space<vmem>>, vector<16xi32>,
      %swap3A_742 = arith.constant 176 : index
      %swap3A_743 = tpu.vector_load %arg14[%swap3A_742] {strides = array<i32>} : memref<216xi32, #tpu.memory_space<vmem>>, vector<16xi32>,
      %swap3A_744 = vector.shape_cast %swap3A_743 : vector<16xi32> to vector<16xi32>
      %swap3A_745 = vector.shape_cast %convert_element_type3A_732 : vector<16xi32> to vector<16xi32>
      tpu.vector_store %arg14[%swap3A_742], %swap3A_745 {strides = array<i32>} : memref<216xi32, #tpu.memory_space<vmem>>, vector<16xi32>,
      %add3A_746 = arith.constant 184 : i32
      %add3A_747 = arith.addi %add3A_67, %add3A_746 : i32
      %sub3A_748 = arith.constant 176 : i32
      %sub3A_749 = arith.subi %add3A_747, %sub3A_748 : i32
      %get3A_750 = arith.index_cast %sub3A_749 : i32 to index
      %get3A_751 = tpu.vector_load %arg7[%get3A_750] {strides = array<i32>} : memref<25624xf32, #tpu.memory_space<vmem>>, vector<16xf32>,
      %get3A_752 = vector.shape_cast %get3A_751 : vector<16xf32> to vector<16xf32>
      %rev3A_753 = arith.constant 15 : i32
      %rev3A_754 = vector.broadcast %rev3A_753 : i32 to vector<16xi32>
      %rev3A_755 = tpu.iota {dimensions = array<i32: 0>} : vector<16xi32>
      %rev3A_756 = arith.subi %rev3A_754, %rev3A_755 : vector<16xi32>
      %rev3A_757 = tpu.dynamic_gather %get3A_752[%rev3A_756] in [0] : vector<16xf32>, vector<16xi32> -> vector<16xf32>
      %add3A_758 = arith.constant 1.000000e+00 : f32
      %add3A_759 = vector.broadcast %add3A_758 : f32 to vector<16xf32>
      %add3A_760 = arith.addf %rev3A_757, %add3A_759 : vector<16xf32>
      %mul3A_761 = arith.constant 5.000000e-01 : f32
      %mul3A_762 = vector.broadcast %mul3A_761 : f32 to vector<16xf32>
      %mul3A_763 = arith.mulf %add3A_760, %mul3A_762 : vector<16xf32>
      %convert_element_type3A_764 = arith.fptosi %mul3A_763 : vector<16xf32> to vector<16xi32>
      %add3A_765 = arith.addi %convert_element_type3A_764, %mul3A_720 : vector<16xi32>
      %add3A_766 = arith.constant 1 : i32
      %add3A_767 = arith.addi %mul3A_69, %add3A_766 : i32
      %add3A_768 = arith.constant 176 : i32
      %add3A_769 = arith.addi %add3A_767, %add3A_768 : i32
      %swap3A_770 = arith.index_cast %add3A_769 : i32 to index
      %swap3A_771 = tpu.vector_load %arg9[%swap3A_770] {strides = array<i32>} : memref<25744xi32, #tpu.memory_space<vmem>>, vector<16xi32>,
      %swap3A_772 = vector.shape_cast %swap3A_771 : vector<16xi32> to vector<16xi32>
      %swap3A_773 = vector.shape_cast %add3A_765 : vector<16xi32> to vector<16xi32>
      tpu.vector_store %arg9[%swap3A_770], %swap3A_773 {strides = array<i32>} : memref<25744xi32, #tpu.memory_space<vmem>>, vector<16xi32>,
      %add3A_774 = arith.constant 193 : i32
      %add3A_775 = vector.broadcast %add3A_774 : i32 to vector<16xi32>
      %add3A_776 = arith.addi %iota3A, %add3A_775 : vector<16xi32>
      %mul3A_777 = arith.constant 3 : i32
      %mul3A_778 = vector.broadcast %mul3A_777 : i32 to vector<16xi32>
      %mul3A_779 = arith.muli %add3A_776, %mul3A_778 : vector<16xi32>
      %add3A_780 = arith.constant 192 : i32
      %add3A_781 = arith.addi %add3A_67, %add3A_780 : i32
      %get3A_782 = arith.index_cast %add3A_781 : i32 to index
      %get3A_783 = tpu.vector_load %arg7[%get3A_782] {strides = array<i32>} : memref<25624xf32, #tpu.memory_space<vmem>>, vector<16xf32>,
      %get3A_784 = vector.shape_cast %get3A_783 : vector<16xf32> to vector<16xf32>
      %add3A_785 = arith.constant 1.000000e+00 : f32
      %add3A_786 = vector.broadcast %add3A_785 : f32 to vector<16xf32>
      %add3A_787 = arith.addf %get3A_784, %add3A_786 : vector<16xf32>
      %mul3A_788 = arith.constant 5.000000e-01 : f32
      %mul3A_789 = vector.broadcast %mul3A_788 : f32 to vector<16xf32>
      %mul3A_790 = arith.mulf %add3A_787, %mul3A_789 : vector<16xf32>
      %convert_element_type3A_791 = arith.fptosi %mul3A_790 : vector<16xf32> to vector<16xi32>
      %add3A_792 = arith.addi %convert_element_type3A_791, %mul3A_779 : vector<16xi32>
      %add3A_793 = arith.constant 1 : i32
      %add3A_794 = arith.addi %mul3A_69, %add3A_793 : i32
      %add3A_795 = arith.constant 192 : i32
      %add3A_796 = arith.addi %add3A_794, %add3A_795 : i32
      %swap3A_797 = arith.index_cast %add3A_796 : i32 to index
      %swap3A_798 = tpu.vector_load %arg8[%swap3A_797] {strides = array<i32>} : memref<25744xi32, #tpu.memory_space<vmem>>, vector<16xi32>,
      %swap3A_799 = vector.shape_cast %swap3A_798 : vector<16xi32> to vector<16xi32>
      %swap3A_800 = vector.shape_cast %add3A_792 : vector<16xi32> to vector<16xi32>
      tpu.vector_store %arg8[%swap3A_797], %swap3A_800 {strides = array<i32>} : memref<25744xi32, #tpu.memory_space<vmem>>, vector<16xi32>,
      %swap3A_801 = arith.constant 192 : index
      %swap3A_802 = tpu.vector_load %arg14[%swap3A_801] {strides = array<i32>} : memref<216xi32, #tpu.memory_space<vmem>>, vector<16xi32>,
      %swap3A_803 = vector.shape_cast %swap3A_802 : vector<16xi32> to vector<16xi32>
      %swap3A_804 = vector.shape_cast %convert_element_type3A_791 : vector<16xi32> to vector<16xi32>
      tpu.vector_store %arg14[%swap3A_801], %swap3A_804 {strides = array<i32>} : memref<216xi32, #tpu.memory_space<vmem>>, vector<16xi32>,
      %add3A_805 = arith.constant 184 : i32
      %add3A_806 = arith.addi %add3A_67, %add3A_805 : i32
      %sub3A_807 = arith.constant 192 : i32
      %sub3A_808 = arith.subi %add3A_806, %sub3A_807 : i32
      %get3A_809 = arith.index_cast %sub3A_808 : i32 to index
      %get3A_810 = tpu.vector_load %arg7[%get3A_809] {strides = array<i32>} : memref<25624xf32, #tpu.memory_space<vmem>>, vector<16xf32>,
      %get3A_811 = vector.shape_cast %get3A_810 : vector<16xf32> to vector<16xf32>
      %rev3A_812 = arith.constant 15 : i32
      %rev3A_813 = vector.broadcast %rev3A_812 : i32 to vector<16xi32>
      %rev3A_814 = tpu.iota {dimensions = array<i32: 0>} : vector<16xi32>
      %rev3A_815 = arith.subi %rev3A_813, %rev3A_814 : vector<16xi32>
      %rev3A_816 = tpu.dynamic_gather %get3A_811[%rev3A_815] in [0] : vector<16xf32>, vector<16xi32> -> vector<16xf32>
      %add3A_817 = arith.constant 1.000000e+00 : f32
      %add3A_818 = vector.broadcast %add3A_817 : f32 to vector<16xf32>
      %add3A_819 = arith.addf %rev3A_816, %add3A_818 : vector<16xf32>
      %mul3A_820 = arith.constant 5.000000e-01 : f32
      %mul3A_821 = vector.broadcast %mul3A_820 : f32 to vector<16xf32>
      %mul3A_822 = arith.mulf %add3A_819, %mul3A_821 : vector<16xf32>
      %convert_element_type3A_823 = arith.fptosi %mul3A_822 : vector<16xf32> to vector<16xi32>
      %add3A_824 = arith.addi %convert_element_type3A_823, %mul3A_779 : vector<16xi32>
      %add3A_825 = arith.constant 1 : i32
      %add3A_826 = arith.addi %mul3A_69, %add3A_825 : i32
      %add3A_827 = arith.constant 192 : i32
      %add3A_828 = arith.addi %add3A_826, %add3A_827 : i32
      %swap3A_829 = arith.index_cast %add3A_828 : i32 to index
      %swap3A_830 = tpu.vector_load %arg9[%swap3A_829] {strides = array<i32>} : memref<25744xi32, #tpu.memory_space<vmem>>, vector<16xi32>,
      %swap3A_831 = vector.shape_cast %swap3A_830 : vector<16xi32> to vector<16xi32>
      %swap3A_832 = vector.shape_cast %add3A_824 : vector<16xi32> to vector<16xi32>
      tpu.vector_store %arg9[%swap3A_829], %swap3A_832 {strides = array<i32>} : memref<25744xi32, #tpu.memory_space<vmem>>, vector<16xi32>,
      %mul3A_833 = arith.constant 3 : i32
      %mul3A_834 = vector.broadcast %mul3A_833 : i32 to vector<16xi32>
      %mul3A_835 = arith.muli %iota3A, %mul3A_834 : vector<16xi32>
      %sub3A_836 = arith.constant 1 : i32
      %sub3A_837 = arith.subi %add3A_67, %sub3A_836 : i32
      %get3A_838 = arith.index_cast %sub3A_837 : i32 to index
      %get3A_839 = tpu.vector_load %arg7[%get3A_838] {strides = array<i32>} : memref<25624xf32, #tpu.memory_space<vmem>>, vector<16xf32>,
      %get3A_840 = vector.shape_cast %get3A_839 : vector<16xf32> to vector<16xf32>
      %add3A_841 = arith.constant 1.000000e+00 : f32
      %add3A_842 = vector.broadcast %add3A_841 : f32 to vector<16xf32>
      %add3A_843 = arith.addf %get3A_840, %add3A_842 : vector<16xf32>
      %mul3A_844 = arith.constant 5.000000e-01 : f32
      %mul3A_845 = vector.broadcast %mul3A_844 : f32 to vector<16xf32>
      %mul3A_846 = arith.mulf %add3A_843, %mul3A_845 : vector<16xf32>
      %convert_element_type3A_847 = arith.fptosi %mul3A_846 : vector<16xf32> to vector<16xi32>
      %jit3A = arith.constant 2 : i32
      %broadcast_in_dim3A_848 = vector.broadcast %jit3A : i32 to vector<16xi32>
      %select_n3A = arith.select %eq3A_15, %broadcast_in_dim3A_848, %convert_element_type3A_847 : vector<16xi1>, vector<16xi32>
      %add3A_849 = arith.addi %select_n3A, %mul3A_835 : vector<16xi32>
      %swap3A_850 = arith.index_cast %mul3A_69 : i32 to index
      %swap3A_851 = tpu.vector_load %arg8[%swap3A_850] {strides = array<i32>} : memref<25744xi32, #tpu.memory_space<vmem>>, vector<16xi32>,
      %swap3A_852 = vector.shape_cast %swap3A_851 : vector<16xi32> to vector<16xi32>
      %swap3A_853 = vector.shape_cast %add3A_849 : vector<16xi32> to vector<16xi32>
      tpu.vector_store %arg8[%swap3A_850], %swap3A_853 {strides = array<i32>} : memref<25744xi32, #tpu.memory_space<vmem>>, vector<16xi32>,
      %add3A_854 = arith.constant 185 : i32
      %add3A_855 = arith.addi %add3A_67, %add3A_854 : i32
      %get3A_856 = arith.index_cast %add3A_855 : i32 to index
      %get3A_857 = tpu.vector_load %arg7[%get3A_856] {strides = array<i32>} : memref<25624xf32, #tpu.memory_space<vmem>>, vector<16xf32>,
      %get3A_858 = vector.shape_cast %get3A_857 : vector<16xf32> to vector<16xf32>
      %rev3A_859 = arith.constant 15 : i32
      %rev3A_860 = vector.broadcast %rev3A_859 : i32 to vector<16xi32>
      %rev3A_861 = tpu.iota {dimensions = array<i32: 0>} : vector<16xi32>
      %rev3A_862 = arith.subi %rev3A_860, %rev3A_861 : vector<16xi32>
      %rev3A_863 = tpu.dynamic_gather %get3A_858[%rev3A_862] in [0] : vector<16xf32>, vector<16xi32> -> vector<16xf32>
      %add3A_864 = arith.constant 1.000000e+00 : f32
      %add3A_865 = vector.broadcast %add3A_864 : f32 to vector<16xf32>
      %add3A_866 = arith.addf %rev3A_863, %add3A_865 : vector<16xf32>
      %mul3A_867 = arith.constant 5.000000e-01 : f32
      %mul3A_868 = vector.broadcast %mul3A_867 : f32 to vector<16xf32>
      %mul3A_869 = arith.mulf %add3A_866, %mul3A_868 : vector<16xf32>
      %convert_element_type3A_870 = arith.fptosi %mul3A_869 : vector<16xf32> to vector<16xi32>
      %jit3A_871 = arith.constant 2 : i32
      %broadcast_in_dim3A_872 = vector.broadcast %jit3A_871 : i32 to vector<16xi32>
      %select_n3A_873 = arith.select %eq3A_15, %broadcast_in_dim3A_872, %convert_element_type3A_870 : vector<16xi1>, vector<16xi32>
      %add3A_874 = arith.addi %select_n3A_873, %mul3A_835 : vector<16xi32>
      %swap3A_875 = arith.index_cast %mul3A_69 : i32 to index
      %swap3A_876 = tpu.vector_load %arg9[%swap3A_875] {strides = array<i32>} : memref<25744xi32, #tpu.memory_space<vmem>>, vector<16xi32>,
      %swap3A_877 = vector.shape_cast %swap3A_876 : vector<16xi32> to vector<16xi32>
      %swap3A_878 = vector.shape_cast %add3A_874 : vector<16xi32> to vector<16xi32>
      tpu.vector_store %arg9[%swap3A_875], %swap3A_878 {strides = array<i32>} : memref<25744xi32, #tpu.memory_space<vmem>>, vector<16xi32>,
      %mul3A_879 = arith.constant 200 : i32
      %mul3A_880 = arith.muli %scan3A_63, %mul3A_879 : i32
      %add3A_881 = arith.addi %multiple_of3A, %mul3A_880 : i32
      "tpu.region"() ({
        %run_scoped3A = tpu.sem_alloc : memref<!tpu.dma_semaphore, #tpu.memory_space<semaphore_mem>>
        %dma_start3A_882 = arith.constant 0 : i32
        %dma_start3A_883 = tpu.memref_slice %arg14[%dma_start3A_882] : memref<216xi32, #tpu.memory_space<vmem>> -> memref<200xi32, #tpu.memory_space<vmem>>
        %dma_start3A_884 = tpu.memref_slice %arg6[%add3A_881] : memref<819200xi32, #tpu.memory_space<hbm>> -> memref<200xi32, #tpu.memory_space<hbm>>
        %dma_start3A_885 = tpu.memref_slice %arg6[%add3A_881] : memref<819200xi32, #tpu.memory_space<hbm>> -> memref<200xi32, #tpu.memory_space<hbm>>
        %dma_start3A_886 = arith.constant 0 : i32
        %dma_start3A_887 = tpu.memref_slice %arg14[%dma_start3A_886] : memref<216xi32, #tpu.memory_space<vmem>> -> memref<200xi32, #tpu.memory_space<vmem>>
        tpu.enqueue_dma source(%dma_start3A_887 : memref<200xi32, #tpu.memory_space<vmem>>) target(%dma_start3A_885 : memref<200xi32, #tpu.memory_space<hbm>>) target_semaphore(%run_scoped3A : memref<!tpu.dma_semaphore, #tpu.memory_space<semaphore_mem>>)
        %dma_wait3A_888 = arith.constant 0 : i32
        %dma_wait3A_889 = tpu.memref_slice %arg14[%dma_wait3A_888] : memref<216xi32, #tpu.memory_space<vmem>> -> memref<200xi32, #tpu.memory_space<vmem>>
        %dma_wait3A_890 = tpu.memref_slice %arg6[%add3A_881] : memref<819200xi32, #tpu.memory_space<hbm>> -> memref<200xi32, #tpu.memory_space<hbm>>
        %dma_wait3A_891 = tpu.memref_slice %arg6[%add3A_881] : memref<819200xi32, #tpu.memory_space<hbm>> -> memref<200xi32, #tpu.memory_space<hbm>>
        %dma_wait3A_892 = arith.constant 0 : i32
        %dma_wait3A_893 = tpu.memref_slice %arg14[%dma_wait3A_892] : memref<216xi32, #tpu.memory_space<vmem>> -> memref<200xi32, #tpu.memory_space<vmem>>
        tpu.wait_dma2 semaphore(%run_scoped3A : memref<!tpu.dma_semaphore, #tpu.memory_space<semaphore_mem>>) src(%dma_wait3A_893 : memref<200xi32, #tpu.memory_space<vmem>>) dst(%dma_wait3A_891 : memref<200xi32, #tpu.memory_space<hbm>>)
        tpu.yield
      }) : () -> ()
    }
    %scan3A_20 = arith.constant 128 : i32
    %multiple_of3A_21 = arith.constant 0 : i32
    %multiple_of3A_22 = tpu.assume_multiple %multiple_of3A_21, 8 : i32
    %dma_start3A = tpu.memref_slice %arg8[%multiple_of3A_22] : memref<25744xi32, #tpu.memory_space<vmem>> -> memref<96xi32, #tpu.memory_space<vmem>>
    %dma_start3A_23 = arith.constant 0 : i32
    %dma_start3A_24 = arith.constant 0 : i32
    %dma_start3A_25 = tpu.memref_slice %arg3[%dma_start3A_23, %dma_start3A_24] : memref<627x128xf32, #tpu.memory_space<hbm>> -> memref<627x128xf32, #tpu.memory_space<hbm>>
    tpu.enqueue_indirect_dma source(%dma_start3A_25 : memref<627x128xf32, #tpu.memory_space<hbm>>) target(%arg10 : memref<96x128xf32, #tpu.memory_space<vmem>>) offsets(%dma_start3A : memref<96xi32, #tpu.memory_space<vmem>>) semaphore(%arg15 : memref<!tpu.dma_semaphore, #tpu.memory_space<semaphore_mem>>)
    %dma_start3A_26 = tpu.memref_slice %arg9[%multiple_of3A_22] : memref<25744xi32, #tpu.memory_space<vmem>> -> memref<96xi32, #tpu.memory_space<vmem>>
    %dma_start3A_27 = arith.constant 0 : i32
    %dma_start3A_28 = arith.constant 0 : i32
    %dma_start3A_29 = tpu.memref_slice %arg3[%dma_start3A_27, %dma_start3A_28] : memref<627x128xf32, #tpu.memory_space<hbm>> -> memref<627x128xf32, #tpu.memory_space<hbm>>
    tpu.enqueue_indirect_dma source(%dma_start3A_29 : memref<627x128xf32, #tpu.memory_space<hbm>>) target(%arg12 : memref<96x128xf32, #tpu.memory_space<vmem>>) offsets(%dma_start3A_26 : memref<96xi32, #tpu.memory_space<vmem>>) semaphore(%arg17 : memref<!tpu.dma_semaphore, #tpu.memory_space<semaphore_mem>>)
    %multiple_of3A_30 = arith.constant 96 : i32
    %multiple_of3A_31 = tpu.assume_multiple %multiple_of3A_30, 8 : i32
    %dma_start3A_32 = tpu.memref_slice %arg8[%multiple_of3A_31] : memref<25744xi32, #tpu.memory_space<vmem>> -> memref<96xi32, #tpu.memory_space<vmem>>
    %dma_start3A_33 = arith.constant 0 : i32
    %dma_start3A_34 = arith.constant 0 : i32
    %dma_start3A_35 = tpu.memref_slice %arg3[%dma_start3A_33, %dma_start3A_34] : memref<627x128xf32, #tpu.memory_space<hbm>> -> memref<627x128xf32, #tpu.memory_space<hbm>>
    tpu.enqueue_indirect_dma source(%dma_start3A_35 : memref<627x128xf32, #tpu.memory_space<hbm>>) target(%arg11 : memref<96x128xf32, #tpu.memory_space<vmem>>) offsets(%dma_start3A_32 : memref<96xi32, #tpu.memory_space<vmem>>) semaphore(%arg16 : memref<!tpu.dma_semaphore, #tpu.memory_space<semaphore_mem>>)
    %dma_start3A_36 = tpu.memref_slice %arg9[%multiple_of3A_31] : memref<25744xi32, #tpu.memory_space<vmem>> -> memref<96xi32, #tpu.memory_space<vmem>>
    %dma_start3A_37 = arith.constant 0 : i32
    %dma_start3A_38 = arith.constant 0 : i32
    %dma_start3A_39 = tpu.memref_slice %arg3[%dma_start3A_37, %dma_start3A_38] : memref<627x128xf32, #tpu.memory_space<hbm>> -> memref<627x128xf32, #tpu.memory_space<hbm>>
    tpu.enqueue_indirect_dma source(%dma_start3A_39 : memref<627x128xf32, #tpu.memory_space<hbm>>) target(%arg13 : memref<96x128xf32, #tpu.memory_space<vmem>>) offsets(%dma_start3A_36 : memref<96xi32, #tpu.memory_space<vmem>>) semaphore(%arg18 : memref<!tpu.dma_semaphore, #tpu.memory_space<semaphore_mem>>)
    %scan3A_40 = arith.constant 0 : i32
    %scan3A_41 = arith.constant 0 : i32
    %scan3A_42 = arith.constant 134 : i32
    %scan3A_43 = arith.addi %scan3A_41, %scan3A_42 : i32
    %scan3A_44 = arith.constant 1 : i32
    scf.for %scan3A_63 = %scan3A_41 to %scan3A_43 step %scan3A_44  : i32 {
      %mul3A_64 = arith.constant 2 : i32
      %mul3A_65 = arith.muli %scan3A_63, %mul3A_64 : i32
      %multiple_of3A_66 = tpu.assume_multiple %mul3A_65, 2 : i32
      %multiple_of3A_67 = arith.constant 0 : i32
      %multiple_of3A_68 = tpu.assume_multiple %multiple_of3A_67, 8 : i32
      %dma_wait3A_69 = tpu.memref_slice %arg8[%multiple_of3A_68] : memref<25744xi32, #tpu.memory_space<vmem>> -> memref<96xi32, #tpu.memory_space<vmem>>
      %dma_wait3A_70 = arith.constant 0 : i32
      %dma_wait3A_71 = arith.constant 0 : i32
      %dma_wait3A_72 = tpu.memref_slice %arg3[%dma_wait3A_70, %dma_wait3A_71] : memref<627x128xf32, #tpu.memory_space<hbm>> -> memref<627x128xf32, #tpu.memory_space<hbm>>
      tpu.wait_indirect_dma semaphore(%arg15 : memref<!tpu.dma_semaphore, #tpu.memory_space<semaphore_mem>>) src(%dma_wait3A_72 : memref<627x128xf32, #tpu.memory_space<hbm>>) dst(%arg10 : memref<96x128xf32, #tpu.memory_space<vmem>>)
      %dma_wait3A_73 = tpu.memref_slice %arg9[%multiple_of3A_68] : memref<25744xi32, #tpu.memory_space<vmem>> -> memref<96xi32, #tpu.memory_space<vmem>>
      %dma_wait3A_74 = arith.constant 0 : i32
      %dma_wait3A_75 = arith.constant 0 : i32
      %dma_wait3A_76 = tpu.memref_slice %arg3[%dma_wait3A_74, %dma_wait3A_75] : memref<627x128xf32, #tpu.memory_space<hbm>> -> memref<627x128xf32, #tpu.memory_space<hbm>>
      tpu.wait_indirect_dma semaphore(%arg17 : memref<!tpu.dma_semaphore, #tpu.memory_space<semaphore_mem>>) src(%dma_wait3A_76 : memref<627x128xf32, #tpu.memory_space<hbm>>) dst(%arg12 : memref<96x128xf32, #tpu.memory_space<vmem>>)
      %mul3A_77 = arith.constant 96 : i32
      %mul3A_78 = arith.muli %multiple_of3A_66, %mul3A_77 : i32
      %add3A_79 = arith.addi %multiple_of3A_5, %mul3A_78 : i32
      %multiple_of3A_80 = tpu.assume_multiple %add3A_79, 8 : i32
      %dma_start3A_81 = arith.constant 0 : i32
      %dma_start3A_82 = tpu.memref_slice %arg4[%multiple_of3A_80, %dma_start3A_81] : memref<823296x128xf32, #tpu.memory_space<hbm>> -> memref<96x128xf32, #tpu.memory_space<hbm>>
      %dma_start3A_83 = arith.constant 0 : i32
      %dma_start3A_84 = tpu.memref_slice %arg4[%multiple_of3A_80, %dma_start3A_83] : memref<823296x128xf32, #tpu.memory_space<hbm>> -> memref<96x128xf32, #tpu.memory_space<hbm>>
      tpu.enqueue_dma source(%arg10 : memref<96x128xf32, #tpu.memory_space<vmem>>) target(%dma_start3A_84 : memref<96x128xf32, #tpu.memory_space<hbm>>) target_semaphore(%arg19 : memref<!tpu.dma_semaphore, #tpu.memory_space<semaphore_mem>>)
      %dma_start3A_85 = arith.constant 0 : i32
      %dma_start3A_86 = tpu.memref_slice %arg5[%multiple_of3A_80, %dma_start3A_85] : memref<823296x128xf32, #tpu.memory_space<hbm>> -> memref<96x128xf32, #tpu.memory_space<hbm>>
      %dma_start3A_87 = arith.constant 0 : i32
      %dma_start3A_88 = tpu.memref_slice %arg5[%multiple_of3A_80, %dma_start3A_87] : memref<823296x128xf32, #tpu.memory_space<hbm>> -> memref<96x128xf32, #tpu.memory_space<hbm>>
      tpu.enqueue_dma source(%arg12 : memref<96x128xf32, #tpu.memory_space<vmem>>) target(%dma_start3A_88 : memref<96x128xf32, #tpu.memory_space<hbm>>) target_semaphore(%arg21 : memref<!tpu.dma_semaphore, #tpu.memory_space<semaphore_mem>>)
      %multiple_of3A_89 = arith.constant 0 : i32
      %multiple_of3A_90 = tpu.assume_multiple %multiple_of3A_89, 8 : i32
      %dma_wait3A_91 = tpu.memref_slice %arg8[%multiple_of3A_90] : memref<25744xi32, #tpu.memory_space<vmem>> -> memref<96xi32, #tpu.memory_space<vmem>>
      %dma_wait3A_92 = arith.constant 0 : i32
      %dma_wait3A_93 = arith.constant 0 : i32
      %dma_wait3A_94 = tpu.memref_slice %arg3[%dma_wait3A_92, %dma_wait3A_93] : memref<627x128xf32, #tpu.memory_space<hbm>> -> memref<627x128xf32, #tpu.memory_space<hbm>>
      tpu.wait_indirect_dma semaphore(%arg16 : memref<!tpu.dma_semaphore, #tpu.memory_space<semaphore_mem>>) src(%dma_wait3A_94 : memref<627x128xf32, #tpu.memory_space<hbm>>) dst(%arg11 : memref<96x128xf32, #tpu.memory_space<vmem>>)
      %dma_wait3A_95 = tpu.memref_slice %arg9[%multiple_of3A_90] : memref<25744xi32, #tpu.memory_space<vmem>> -> memref<96xi32, #tpu.memory_space<vmem>>
      %dma_wait3A_96 = arith.constant 0 : i32
      %dma_wait3A_97 = arith.constant 0 : i32
      %dma_wait3A_98 = tpu.memref_slice %arg3[%dma_wait3A_96, %dma_wait3A_97] : memref<627x128xf32, #tpu.memory_space<hbm>> -> memref<627x128xf32, #tpu.memory_space<hbm>>
      tpu.wait_indirect_dma semaphore(%arg18 : memref<!tpu.dma_semaphore, #tpu.memory_space<semaphore_mem>>) src(%dma_wait3A_98 : memref<627x128xf32, #tpu.memory_space<hbm>>) dst(%arg13 : memref<96x128xf32, #tpu.memory_space<vmem>>)
      %add3A_99 = arith.constant 1 : i32
      %add3A_100 = arith.addi %multiple_of3A_66, %add3A_99 : i32
      %mul3A_101 = arith.constant 96 : i32
      %mul3A_102 = arith.muli %add3A_100, %mul3A_101 : i32
      %add3A_103 = arith.addi %multiple_of3A_5, %mul3A_102 : i32
      %multiple_of3A_104 = tpu.assume_multiple %add3A_103, 8 : i32
      %dma_start3A_105 = arith.constant 0 : i32
      %dma_start3A_106 = tpu.memref_slice %arg4[%multiple_of3A_104, %dma_start3A_105] : memref<823296x128xf32, #tpu.memory_space<hbm>> -> memref<96x128xf32, #tpu.memory_space<hbm>>
      %dma_start3A_107 = arith.constant 0 : i32
      %dma_start3A_108 = tpu.memref_slice %arg4[%multiple_of3A_104, %dma_start3A_107] : memref<823296x128xf32, #tpu.memory_space<hbm>> -> memref<96x128xf32, #tpu.memory_space<hbm>>
      tpu.enqueue_dma source(%arg11 : memref<96x128xf32, #tpu.memory_space<vmem>>) target(%dma_start3A_108 : memref<96x128xf32, #tpu.memory_space<hbm>>) target_semaphore(%arg20 : memref<!tpu.dma_semaphore, #tpu.memory_space<semaphore_mem>>)
      %dma_start3A_109 = arith.constant 0 : i32
      %dma_start3A_110 = tpu.memref_slice %arg5[%multiple_of3A_104, %dma_start3A_109] : memref<823296x128xf32, #tpu.memory_space<hbm>> -> memref<96x128xf32, #tpu.memory_space<hbm>>
      %dma_start3A_111 = arith.constant 0 : i32
      %dma_start3A_112 = tpu.memref_slice %arg5[%multiple_of3A_104, %dma_start3A_111] : memref<823296x128xf32, #tpu.memory_space<hbm>> -> memref<96x128xf32, #tpu.memory_space<hbm>>
      tpu.enqueue_dma source(%arg13 : memref<96x128xf32, #tpu.memory_space<vmem>>) target(%dma_start3A_112 : memref<96x128xf32, #tpu.memory_space<hbm>>) target_semaphore(%arg22 : memref<!tpu.dma_semaphore, #tpu.memory_space<semaphore_mem>>)
      %add3A_113 = arith.constant 2 : i32
      %add3A_114 = arith.addi %multiple_of3A_66, %add3A_113 : i32
      %le3A = arith.constant 267 : i32
      %le3A_115 = arith.cmpi sle, %add3A_114, %le3A : i32
      %convert_element_type3A = arith.extui %le3A_115 : i1 to i32
      %cond3A = arith.constant 0 : i32
      %cond3A_116 = arith.cmpi ne, %convert_element_type3A, %cond3A : i32
      scf.if %cond3A_116 {
        %multiple_of3A_124 = tpu.assume_multiple %multiple_of3A_5, 8 : i32
        %dma_wait3A_125 = arith.constant 0 : i32
        %dma_wait3A_126 = tpu.memref_slice %arg4[%multiple_of3A_124, %dma_wait3A_125] : memref<823296x128xf32, #tpu.memory_space<hbm>> -> memref<96x128xf32, #tpu.memory_space<hbm>>
        %dma_wait3A_127 = arith.constant 0 : i32
        %dma_wait3A_128 = tpu.memref_slice %arg4[%multiple_of3A_124, %dma_wait3A_127] : memref<823296x128xf32, #tpu.memory_space<hbm>> -> memref<96x128xf32, #tpu.memory_space<hbm>>
        tpu.wait_dma2 semaphore(%arg19 : memref<!tpu.dma_semaphore, #tpu.memory_space<semaphore_mem>>) src(%arg10 : memref<96x128xf32, #tpu.memory_space<vmem>>) dst(%dma_wait3A_128 : memref<96x128xf32, #tpu.memory_space<hbm>>)
        %dma_wait3A_129 = arith.constant 0 : i32
        %dma_wait3A_130 = tpu.memref_slice %arg5[%multiple_of3A_124, %dma_wait3A_129] : memref<823296x128xf32, #tpu.memory_space<hbm>> -> memref<96x128xf32, #tpu.memory_space<hbm>>
        %dma_wait3A_131 = arith.constant 0 : i32
        %dma_wait3A_132 = tpu.memref_slice %arg5[%multiple_of3A_124, %dma_wait3A_131] : memref<823296x128xf32, #tpu.memory_space<hbm>> -> memref<96x128xf32, #tpu.memory_space<hbm>>
        tpu.wait_dma2 semaphore(%arg21 : memref<!tpu.dma_semaphore, #tpu.memory_space<semaphore_mem>>) src(%arg12 : memref<96x128xf32, #tpu.memory_space<vmem>>) dst(%dma_wait3A_132 : memref<96x128xf32, #tpu.memory_space<hbm>>)
        %add3A_133 = arith.constant 2 : i32
        %add3A_134 = arith.addi %multiple_of3A_66, %add3A_133 : i32
        %mul3A_135 = arith.constant 96 : i32
        %mul3A_136 = arith.muli %add3A_134, %mul3A_135 : i32
        %multiple_of3A_137 = tpu.assume_multiple %mul3A_136, 8 : i32
        %dma_start3A_138 = tpu.memref_slice %arg8[%multiple_of3A_137] : memref<25744xi32, #tpu.memory_space<vmem>> -> memref<96xi32, #tpu.memory_space<vmem>>
        %dma_start3A_139 = arith.constant 0 : i32
        %dma_start3A_140 = arith.constant 0 : i32
        %dma_start3A_141 = tpu.memref_slice %arg3[%dma_start3A_139, %dma_start3A_140] : memref<627x128xf32, #tpu.memory_space<hbm>> -> memref<627x128xf32, #tpu.memory_space<hbm>>
        tpu.enqueue_indirect_dma source(%dma_start3A_141 : memref<627x128xf32, #tpu.memory_space<hbm>>) target(%arg10 : memref<96x128xf32, #tpu.memory_space<vmem>>) offsets(%dma_start3A_138 : memref<96xi32, #tpu.memory_space<vmem>>) semaphore(%arg15 : memref<!tpu.dma_semaphore, #tpu.memory_space<semaphore_mem>>)
        %dma_start3A_142 = tpu.memref_slice %arg9[%multiple_of3A_137] : memref<25744xi32, #tpu.memory_space<vmem>> -> memref<96xi32, #tpu.memory_space<vmem>>
        %dma_start3A_143 = arith.constant 0 : i32
        %dma_start3A_144 = arith.constant 0 : i32
        %dma_start3A_145 = tpu.memref_slice %arg3[%dma_start3A_143, %dma_start3A_144] : memref<627x128xf32, #tpu.memory_space<hbm>> -> memref<627x128xf32, #tpu.memory_space<hbm>>
        tpu.enqueue_indirect_dma source(%dma_start3A_145 : memref<627x128xf32, #tpu.memory_space<hbm>>) target(%arg12 : memref<96x128xf32, #tpu.memory_space<vmem>>) offsets(%dma_start3A_142 : memref<96xi32, #tpu.memory_space<vmem>>) semaphore(%arg17 : memref<!tpu.dma_semaphore, #tpu.memory_space<semaphore_mem>>)
      } else {
      }
      %add3A_117 = arith.constant 3 : i32
      %add3A_118 = arith.addi %multiple_of3A_66, %add3A_117 : i32
      %le3A_119 = arith.constant 267 : i32
      %le3A_120 = arith.cmpi sle, %add3A_118, %le3A_119 : i32
      %convert_element_type3A_121 = arith.extui %le3A_120 : i1 to i32
      %cond3A_122 = arith.constant 0 : i32
      %cond3A_123 = arith.cmpi ne, %convert_element_type3A_121, %cond3A_122 : i32
      scf.if %cond3A_123 {
        %multiple_of3A_124 = tpu.assume_multiple %multiple_of3A_5, 8 : i32
        %dma_wait3A_125 = arith.constant 0 : i32
        %dma_wait3A_126 = tpu.memref_slice %arg4[%multiple_of3A_124, %dma_wait3A_125] : memref<823296x128xf32, #tpu.memory_space<hbm>> -> memref<96x128xf32, #tpu.memory_space<hbm>>
        %dma_wait3A_127 = arith.constant 0 : i32
        %dma_wait3A_128 = tpu.memref_slice %arg4[%multiple_of3A_124, %dma_wait3A_127] : memref<823296x128xf32, #tpu.memory_space<hbm>> -> memref<96x128xf32, #tpu.memory_space<hbm>>
        tpu.wait_dma2 semaphore(%arg20 : memref<!tpu.dma_semaphore, #tpu.memory_space<semaphore_mem>>) src(%arg11 : memref<96x128xf32, #tpu.memory_space<vmem>>) dst(%dma_wait3A_128 : memref<96x128xf32, #tpu.memory_space<hbm>>)
        %dma_wait3A_129 = arith.constant 0 : i32
        %dma_wait3A_130 = tpu.memref_slice %arg5[%multiple_of3A_124, %dma_wait3A_129] : memref<823296x128xf32, #tpu.memory_space<hbm>> -> memref<96x128xf32, #tpu.memory_space<hbm>>
        %dma_wait3A_131 = arith.constant 0 : i32
        %dma_wait3A_132 = tpu.memref_slice %arg5[%multiple_of3A_124, %dma_wait3A_131] : memref<823296x128xf32, #tpu.memory_space<hbm>> -> memref<96x128xf32, #tpu.memory_space<hbm>>
        tpu.wait_dma2 semaphore(%arg22 : memref<!tpu.dma_semaphore, #tpu.memory_space<semaphore_mem>>) src(%arg13 : memref<96x128xf32, #tpu.memory_space<vmem>>) dst(%dma_wait3A_132 : memref<96x128xf32, #tpu.memory_space<hbm>>)
        %add3A_133 = arith.constant 3 : i32
        %add3A_134 = arith.addi %multiple_of3A_66, %add3A_133 : i32
        %mul3A_135 = arith.constant 96 : i32
        %mul3A_136 = arith.muli %add3A_134, %mul3A_135 : i32
        %multiple_of3A_137 = tpu.assume_multiple %mul3A_136, 8 : i32
        %dma_start3A_138 = tpu.memref_slice %arg8[%multiple_of3A_137] : memref<25744xi32, #tpu.memory_space<vmem>> -> memref<96xi32, #tpu.memory_space<vmem>>
        %dma_start3A_139 = arith.constant 0 : i32
        %dma_start3A_140 = arith.constant 0 : i32
        %dma_start3A_141 = tpu.memref_slice %arg3[%dma_start3A_139, %dma_start3A_140] : memref<627x128xf32, #tpu.memory_space<hbm>> -> memref<627x128xf32, #tpu.memory_space<hbm>>
        tpu.enqueue_indirect_dma source(%dma_start3A_141 : memref<627x128xf32, #tpu.memory_space<hbm>>) target(%arg11 : memref<96x128xf32, #tpu.memory_space<vmem>>) offsets(%dma_start3A_138 : memref<96xi32, #tpu.memory_space<vmem>>) semaphore(%arg16 : memref<!tpu.dma_semaphore, #tpu.memory_space<semaphore_mem>>)
        %dma_start3A_142 = tpu.memref_slice %arg9[%multiple_of3A_137] : memref<25744xi32, #tpu.memory_space<vmem>> -> memref<96xi32, #tpu.memory_space<vmem>>
        %dma_start3A_143 = arith.constant 0 : i32
        %dma_start3A_144 = arith.constant 0 : i32
        %dma_start3A_145 = tpu.memref_slice %arg3[%dma_start3A_143, %dma_start3A_144] : memref<627x128xf32, #tpu.memory_space<hbm>> -> memref<627x128xf32, #tpu.memory_space<hbm>>
        tpu.enqueue_indirect_dma source(%dma_start3A_145 : memref<627x128xf32, #tpu.memory_space<hbm>>) target(%arg13 : memref<96x128xf32, #tpu.memory_space<vmem>>) offsets(%dma_start3A_142 : memref<96xi32, #tpu.memory_space<vmem>>) semaphore(%arg18 : memref<!tpu.dma_semaphore, #tpu.memory_space<semaphore_mem>>)
      } else {
      }
    }
    %scan3A_45 = arith.constant 134 : i32
    %multiple_of3A_46 = tpu.assume_multiple %multiple_of3A_5, 8 : i32
    %dma_wait3A = arith.constant 0 : i32
    %dma_wait3A_47 = tpu.memref_slice %arg4[%multiple_of3A_46, %dma_wait3A] : memref<823296x128xf32, #tpu.memory_space<hbm>> -> memref<96x128xf32, #tpu.memory_space<hbm>>
    %dma_wait3A_48 = arith.constant 0 : i32
    %dma_wait3A_49 = tpu.memref_slice %arg4[%multiple_of3A_46, %dma_wait3A_48] : memref<823296x128xf32, #tpu.memory_space<hbm>> -> memref<96x128xf32, #tpu.memory_space<hbm>>
    tpu.wait_dma2 semaphore(%arg19 : memref<!tpu.dma_semaphore, #tpu.memory_space<semaphore_mem>>) src(%arg10 : memref<96x128xf32, #tpu.memory_space<vmem>>) dst(%dma_wait3A_49 : memref<96x128xf32, #tpu.memory_space<hbm>>)
    %dma_wait3A_50 = arith.constant 0 : i32
    %dma_wait3A_51 = tpu.memref_slice %arg5[%multiple_of3A_46, %dma_wait3A_50] : memref<823296x128xf32, #tpu.memory_space<hbm>> -> memref<96x128xf32, #tpu.memory_space<hbm>>
    %dma_wait3A_52 = arith.constant 0 : i32
    %dma_wait3A_53 = tpu.memref_slice %arg5[%multiple_of3A_46, %dma_wait3A_52] : memref<823296x128xf32, #tpu.memory_space<hbm>> -> memref<96x128xf32, #tpu.memory_space<hbm>>
    tpu.wait_dma2 semaphore(%arg21 : memref<!tpu.dma_semaphore, #tpu.memory_space<semaphore_mem>>) src(%arg12 : memref<96x128xf32, #tpu.memory_space<vmem>>) dst(%dma_wait3A_53 : memref<96x128xf32, #tpu.memory_space<hbm>>)
    %multiple_of3A_54 = tpu.assume_multiple %multiple_of3A_5, 8 : i32
    %dma_wait3A_55 = arith.constant 0 : i32
    %dma_wait3A_56 = tpu.memref_slice %arg4[%multiple_of3A_54, %dma_wait3A_55] : memref<823296x128xf32, #tpu.memory_space<hbm>> -> memref<96x128xf32, #tpu.memory_space<hbm>>
    %dma_wait3A_57 = arith.constant 0 : i32
    %dma_wait3A_58 = tpu.memref_slice %arg4[%multiple_of3A_54, %dma_wait3A_57] : memref<823296x128xf32, #tpu.memory_space<hbm>> -> memref<96x128xf32, #tpu.memory_space<hbm>>
    tpu.wait_dma2 semaphore(%arg20 : memref<!tpu.dma_semaphore, #tpu.memory_space<semaphore_mem>>) src(%arg11 : memref<96x128xf32, #tpu.memory_space<vmem>>) dst(%dma_wait3A_58 : memref<96x128xf32, #tpu.memory_space<hbm>>)
    %dma_wait3A_59 = arith.constant 0 : i32
    %dma_wait3A_60 = tpu.memref_slice %arg5[%multiple_of3A_54, %dma_wait3A_59] : memref<823296x128xf32, #tpu.memory_space<hbm>> -> memref<96x128xf32, #tpu.memory_space<hbm>>
    %dma_wait3A_61 = arith.constant 0 : i32
    %dma_wait3A_62 = tpu.memref_slice %arg5[%multiple_of3A_54, %dma_wait3A_61] : memref<823296x128xf32, #tpu.memory_space<hbm>> -> memref<96x128xf32, #tpu.memory_space<hbm>>
    tpu.wait_dma2 semaphore(%arg22 : memref<!tpu.dma_semaphore, #tpu.memory_space<semaphore_mem>>) src(%arg13 : memref<96x128xf32, #tpu.memory_space<vmem>>) dst(%dma_wait3A_62 : memref<96x128xf32, #tpu.memory_space<hbm>>)
    return
  }
}

</mosaic_0001>

<sc_bundles>
// kernel: kernel.3.cloned.1.call-start
scs
__scs_entry_jumppad:
0x0: {  	(pc) =	sbr.rel $0x88, $3  }
0x1: {  	(tag) =	ssettag $0x0;
	lr =	simm.s32 $0x1  }
0x2: {  	[smem:$0x3F9F] =	sst lr;
	_ =	strace $0xD0000000  }
0x3: {  	_ = 	snop  }
0x4: {  	_ = 	snop  }
0x5: {  	_ = 	snop  }
0x6: {  	_ = 	snop  }
0x7: {  	_ = 	snop  }
__scs_overlays_trampoline_lowered:
0x8: {  	[smem:$0x3FAE] =	sst s0  }
0x9: {  	[smem:$0x3FAF] =	sst s1  }
0xa: {  	[smem:$0x3FB0] =	sst s2  }
0xb: {  	[smem:$0x3FB1] =	sst s3  }
0xc: {  	[smem:$0x3FB2] =	sst s4  }
0xd: {  	[smem:$0x3FB3] =	sst s5  }
0xe: {  	[smem:$0x3FB4] =	sst s6  }
0xf: {  	[smem:$0x3FB5] =	sst s7  }
0x10: {  	[smem:$0x3FB6] =	sst s8  }
0x11: {  	[smem:$0x3FB7] =	sst s9;
	s0 =	simm.s32 @!p0 $0x0  }
0x12: {  	s1 =	sld [smem:$0x3F9D];
	s0 =	simm.s32 @p0 $0x1  }
0x13: {  	[smem:$0x3FB8] =	sst s0;
	s0 =	simm.s32 @!p1 $0x0  }
0x14: {  	s2 =	sld [smem:$0x3F9C];
	s0 =	simm.s32 @p1 $0x1  }
0x15: {  	[smem:$0x3FB9] =	sst s0;
	s0 =	simm.s32 @!p2 $0x0  }
0x16: {  	s3 =	sld [smem:$0x3FDB];
	s0 =	simm.s32 @p2 $0x1  }
0x17: {  	s4 =	simm.s32 $0x1BF5;
	[smem:$0x3FBB] =	sst s0  }
0x18: {  	s0 =	sld [smem:$0x3F9E];
	_ =	swait.ge [sflag:s4], $0x0  }
0x19: {  	s7 =	sld [smem:$0x3F9F]  }
0x1a: {  	s8 =	sadd.s32 $0xFFFFE003, lr  }
0x1b: {  	s9 =	sadd.s32 $0xFFFFFEF7, lr;
	s5 =	simm.s32 $0xFFFFFFFF;
	p2 =	slt.u32 s8, $0xFFFFF086  }
0x1c: {  	p1 =	slt.u32 s9, $0xF7A;
	s5 =	simm.s32 @!p2 $0x0  }
0x1d: {  	s5 =	simm.s32 @p1 $0x1;
	p0 =	seq.s32 s7, s2  }
0x1e: {  	s7 =	smul.u32 @!p0 $0xF7A, s2;
	p2 =	seq.s32 @!p0 s5, $0x0  }
0x1f: {  	s9 =	smul.u32 $0xF7A, s1;
	s8 =	simm.s32 @!p0 $0x1BF5;
	p2 =	por !p2, p0  }
0x20: {  	[sflag:s8] =	ssyncset.s32 @!p0 $0xFFFFF086;
	s6 =	sadd.s32 @!p0 s3, s7;
	s7 =	simm.s32 @!p0 $0x108  }
0x21: {  	s3 =	sadd.s32 s3, s9;
	s6 =	sadd.s32 @!p0 $0x88, s6;
	s7 =	simm.s32 @p2 $0x1082  }
0x22: {  	[simem:s7], [sflag:s8] =	dma.local @!p0 [hbm:s6], $0xF7A  }
0x23: {  	s9 =	sor.u32 $0xD0000000, s2;
	s6 =	simm.s32 $0x108;
	_ =	swait.ge @!p0 [sflag:s8], $0x0  }
0x24: {  	s3 =	sadd.s32 $0x88, s3;
	s6 =	simm.s32 @!p1 $0x1082;
	[sflag:s4] =	ssyncset.s32 $0xFFFFF086  }
0x25: {  	[simem:s6], [sflag:s4] =	dma.local [hbm:s3], $0xF7A  }
0x26: {  	[smem:$0x3F9F] =	sst s1;
	(tag) =	ssettag s2;
	_ =	strace s9  }
0x27: {  	s1 =	sld [smem:$0x3FAF]  }
0x28: {  	s2 =	sld [smem:$0x3FB0]  }
0x29: {  	s4 =	sld [smem:$0x3FB2]  }
0x2a: {  	p0 =	seq.s32 s5, $0x0;
	s5 =	sld [smem:$0x3FB3]  }
0x2b: {  	s6 =	sld [smem:$0x3FB4]  }
0x2c: {  	s7 =	sld [smem:$0x3FB5]  }
0x2d: {  	s3 =	simm.s32 $0x108;
	s8 =	sld [smem:$0x3FB6]  }
0x2e: {  	s3 =	simm.s32 @!p0 $0x1082;
	s9 =	sld [smem:$0x3FB7]  }
0x2f: {  	lr =	sadd.s32 s0, s3;
	s0 =	sld [smem:$0x3FAE]  }
0x30: {  	s3 =	sld [smem:$0x3FB1]  }
0x31: {  	[smem:$0x3FBA] =	sst s10  }
0x32: {  	s10 =	sld [smem:$0x3FB8];
	_ =	sdelay $0x3  }
0x33: {  	p0 =	seq.s32 s10, $0x1;
	s10 =	sld [smem:$0x3FBA];
	_ =	sdelay $0x3  }
0x34: {  	[smem:$0x3FBA] =	sst s10  }
0x35: {  	s10 =	sld [smem:$0x3FB9];
	_ =	sdelay $0x3  }
0x36: {  	p1 =	seq.s32 s10, $0x1;
	s10 =	sld [smem:$0x3FBA];
	_ =	sdelay $0x3  }
0x37: {  	[smem:$0x3FBA] =	sst s10  }
0x38: {  	s10 =	sld [smem:$0x3FBB]  }
0x39: {  	_ = 	snop;
	(pc) =	sbr.ind lr, $3  }
0x3a: {  	_ = 	snop  }
0x3b: {  	_ = 	snop  }
0x3c: {  	p2 =	seq.s32 s10, $0x1;
	s10 =	sld [smem:$0x3FBA]  }
0x3d: {  	_ =	shalt  }
0x3e: {  	_ =	shalt  }
0x3f: {  	_ =	shalt  }
0x40: {  	_ =	shalt  }
0x41: {  	_ =	shalt  }
0x42: {  	_ =	shalt  }
0x43: {  	_ =	shalt  }
0x44: {  	_ =	shalt  }
0x45: {  	_ =	shalt  }
0x46: {  	_ =	shalt  }
0x47: {  	_ =	shalt  }
0x48: {  	_ =	shalt  }
0x49: {  	_ =	shalt  }
0x4a: {  	_ =	shalt  }
0x4b: {  	_ =	shalt  }
0x4c: {  	_ =	shalt  }
0x4d: {  	_ =	shalt  }
0x4e: {  	_ =	shalt  }
0x4f: {  	_ =	shalt  }
0x50: {  	_ =	shalt  }
0x51: {  	_ =	shalt  }
0x52: {  	_ =	shalt  }
0x53: {  	_ =	shalt  }
0x54: {  	_ =	shalt  }
0x55: {  	_ =	shalt  }
0x56: {  	_ =	shalt  }
0x57: {  	_ =	shalt  }
0x58: {  	_ =	shalt  }
0x59: {  	_ =	shalt  }
0x5a: {  	_ =	shalt  }
0x5b: {  	_ =	shalt  }
0x5c: {  	_ =	shalt  }
0x5d: {  	_ =	shalt  }
0x5e: {  	_ =	shalt  }
0x5f: {  	_ =	shalt  }
0x60: {  	_ =	shalt  }
0x61: {  	_ =	shalt  }
0x62: {  	_ =	shalt  }
0x63: {  	_ =	shalt  }
0x64: {  	_ =	shalt  }
0x65: {  	_ =	shalt  }
0x66: {  	_ =	shalt  }
0x67: {  	_ =	shalt  }
0x68: {  	_ =	shalt  }
0x69: {  	_ =	shalt  }
0x6a: {  	_ =	shalt  }
0x6b: {  	_ =	shalt  }
0x6c: {  	_ =	shalt  }
0x6d: {  	_ =	shalt  }
0x6e: {  	_ =	shalt  }
0x6f: {  	_ =	shalt  }
0x70: {  	_ =	shalt  }
0x71: {  	_ =	shalt  }
0x72: {  	_ =	shalt  }
0x73: {  	_ =	shalt  }
0x74: {  	_ =	shalt  }
0x75: {  	_ =	shalt  }
0x76: {  	_ =	shalt  }
0x77: {  	_ =	shalt  }
0x78: {  	_ =	shalt  }
0x79: {  	_ =	shalt  }
0x7a: {  	_ =	shalt  }
0x7b: {  	_ =	shalt  }
0x7c: {  	_ =	shalt  }
0x7d: {  	_ =	shalt  }
0x7e: {  	_ =	shalt  }
0x7f: {  	_ =	shalt  }
0x80: {  	_ =	shalt  }
0x81: {  	_ =	shalt  }
0x82: {  	_ =	shalt  }
0x83: {  	_ =	shalt  }
0x84: {  	_ =	shalt  }
0x85: {  	_ =	shalt  }
0x86: {  	_ =	shalt  }
0x87: {  	_ =	shalt  }
.Lfunc_end0:
.L_simem_size_0:
called_computation.2_lowered:
.L_overlay_start_0:
0x88: {  	s2 =	sld [smem:$0x3FD9]  }
0x89: {  	s3 =	sld [smem:$0x3FFE];
	_ =	sdelay $0x1  }
0x8a: {  	s1 =	srdreg.scid  }
0x8b: {  	s0 =	sand.u32 $0x1, s1  }
0x8c: {  	s14 =	sshll.u32 s0, $0xA;
	s2 =	sadd.s32 s3, s2  }
0x8d: {  	s2 =	sadd.s32 s2, s14  }
0x8e: {  	[smem:$0x3FC6] =	sst s2  }
0x8f: {  	_ = 	snop  }
0x90: {  	s2 =	sld [smem:$0x3FD0];
	_ =	sdelay $0x2  }
0x91: {  	s15 =	simm.s32 $0xB;
	s4 =	simm.s32 $0x10  }
0x92: {  	[smem:s4], [sflag:s15] =	dma.local [hbm:s2], $0x1  }
0x93: {  	_ =	swait.eq [sflag:s15], $0x1  }
0x94: {  	s16 =	sld [smem:$0x10];
	[sflag:s15] =	ssyncset.done $0x0  }
0x95: {  	s17 =	sld [smem:$0x11];
	[sflag:s15] =	ssyncadd.s32 $0xFFFFFFFF  }
0x96: {  	s18 =	sld [smem:$0x12];
	(tm) =	ssettm $0x1  }
0x97: {  	s5 =	sld [smem:$0x3FFB];
	_ =	sdelay $0x3  }
0x98: {  	_ =	strace s5  }
0x99: {  	s5 =	sld [smem:$0x3FFC];
	_ =	sdelay $0x3  }
0x9a: {  	_ =	strace s5  }
0x9b: {  	s5 =	sld [smem:$0x3FFD];
	_ =	sdelay $0x3  }
0x9c: {  	_ =	strace s5  }
0x9d: {  	_ =	strace $0x8FFFFFFF  }
0x9e: {  	s19 =	sld [smem:$0x3FDB];
	_ =	sdelay $0x1  }
0x9f: {  	s6 =	simm.s32 $_scs_section_size  }
0xa0: {  	s7 =	simm.s32 $_size__tile_overlayer_lowered;
	s8 =	simm.s32 $_tile_overlayer_lowered  }
0xa1: {  	s22 =	simm.s32 $0x1BFF;
	s21 =	sshll.u32 s8, $0x1;
	s5 =	sadd.s32 s6, s19  }
0xa2: {  	s9 =	simm.s32 $0x0;
	s20 =	sshll.u32 s7, $0x1;
	s7 =	sadd.s32 s21, s5  }
0xa3: {  	[timem:s9], [sflag:s22] =	dma.local [hbm:s7], s20  }
0xa4: {  	_ =	swait.ge [sflag:s22], s20  }
0xa5: {  	s6 =	ssub.s32 $0x0, s20;
	[sflag:s22] =	ssyncset.done $0x0  }
0xa6: {  	[sflag:s22] =	ssyncadd.s32 s6;
	_ =	sdelay $0x1  }
0xa7: {  	s23 =	simm.s32 $0x1B8B  }
0xa8: {  	_ =	swait.ge [sflag:s23], $0x1  }
0xa9: {  	[sflag:s23] =	ssyncset.done $0x0  }
0xaa: {  	s25 =	simm.s32 $0x1B8E;
	s24 =	sld [smem:$0x3FFE];
	[sflag:s23] =	ssyncadd.s32 $0xFFFFFFFF  }
0xab: {  	s26 =	simm.s32 $execute0_lowered;
	[smem:$0x3FD2] =	sst s25  }
0xac: {  	s7 =	sshll.u32 s26, $0x1;
	_ =	strace $0x80000046;
	[dreg:$0x1] =	wrdreg $0xFFFFFFFF  }
0xad: {  	s28 =	simm.s32 $_size_execute0_lowered;
	s5 =	sadd.s32 s5, s7;
	[dreg:$0x0] =	wrdreg $0x0  }
0xae: {  	s7 =	sshll.u32 s28, $0x1;
	[dreg:$0x2] =	wrdreg s5  }
0xaf: {  	[dreg:$0x3] =	wrdreg s7  }
0xb0: {  	[dreg:$0x4] =	wrdreg $0xC0  }
0xb1: {  	_ =	task [dreg:s9], $0x5FFFF  }
0xb2: {  	[dreg:$0x1] =	wrdreg $0xFFFFFFFF  }
0xb3: {  	[dreg:$0x0] =	wrdreg $0x60  }
0xb4: {  	[dreg:$0x2] =	wrdreg s18  }
0xb5: {  	[dreg:$0x3] =	wrdreg s24  }
0xb6: {  	[dreg:$0x4] =	wrdreg s16  }
0xb7: {  	[dreg:$0x5] =	wrdreg s17  }
0xb8: {  	[dreg:$0x6] =	wrdreg $0x9  }
0xb9: {  	_ =	task.clear_ibuf [dreg:s9], $0x7FFFF;
	_ =	strace $0x90000046  }
0xba: {  	s29 =	simm.s32 $0x9;
	_ =	strace $0x80000048  }
0xbb: {  	_ =	swait.ge [sflag:s29], $0x1  }
0xbc: {  	[sflag:s29] =	ssyncadd.s32 $0xFFFFFFFF  }
0xbd: {  	_ =	strace $0x90000048  }
0xbe: {  	_ =	sfence  }
0xbf: {  	s30 =	sld [smem:$0x0];
	_ =	sdelay $0x2  }
0xc0: {  	s31 =	sshll.u32 s1, $0xD;
	s1 =	sshrl.u32 s1, $0x2  }
0xc1: {  	s3 =	sand.u32 $0x4000, s31;
	s1 =	sadd.s32 s1, s30  }
0xc2: {  	s0 =	sor.u32 s3, s0;
	s1 =	sshll.u32 s1, $0x11  }
0xc3: {  	s0 =	sor.u32 s1, s0  }
0xc4: {  	s0 =	sadd.s32 $0x8F2B, s0  }
0xc5: {  	[sflag:s0] =	ssyncadd.remote.s32 $0x1  }
0xc6: {  	_ =	sfence.sel $0xFFFF  }
0xc7: {  	[dreg:$0x0] =	wrdreg $0xFFFFFFFF;
	(pc) =	sbr.abs _section_cstart, $3  }
0xc8: {  	[dreg:$0x1] =	wrdreg $0xFFFFFFFF  }
0xc9: {  	_ =	task.clear_ibuf [dreg:s9], $0x2FFFF;
	_ =	strace $0x9FFFFFFF  }
0xca: {  	(tm) =	ssettm $0x7FFFFFFF  }
0xcb: {  	_ =	shalt  }
tec
execute0_lowered:
.L_overlay_start_1:
0x0: {  	(tag) =	ssettag $0x1  }
0x1: {  	s0 =	rddreg [dreg:$0x0]  }
0x2: {  	s1 =	rddreg [dreg:$0x1]  }
0x3: {  	s4 =	rddreg [dreg:$0x2]  }
0x4: {  	s10 =	rddreg [dreg:$0x3]  }
0x5: {  	s3 =	srdreg.scid;
	s12 =	stileid.u32  }
0x6: {  	s2 =	simm.s32 $0x0;
	s14 =	simm.s32 $0x9;
	s15 =	simm.s32 $0x1EE80  }
0x7: {  	s16 =	simm.s32 $0x60;
	s18 =	simm.s32 $0x12E80;
	s28 =	simm.s32 $0x2  }
0x8: {  	s29 =	simm.s32 $0x4;
	s30 =	simm.s32 $0x5;
	s5 =	smul.u32 $0xC800, s12  }
0x9: {  	s8 =	sand.u32 $0x1, s3;
	s20 =	sshll.u32 s12, $0x1;
	s12 =	smul.u32 $0xC9000, s12  }
0xa: {  	s31 =	simm.s32 $0x7;
	[smem:$0x7FF] =	sst s2;
	s6 =	smul.u32 $0x6400, s8  }
0xb: {  	s3 =	sadd.s32 $0x1200, s1;
	s7 =	sor.u32 s8, s20;
	s13 =	smul.u32 $0x64800, s8  }
0xc: {  	_ =	strace $0x80000047;
	s9 =	ssub.s32 $0x2, s8;
	s21 =	smul.u32 $0x6400, s7  }
0xd: {  	s20 =	simm.s32 $0x18E80;
	s11 =	smul.u32 $0x64800, s7;
	s22 =	sshrl.u32 s9, $0x1  }
0xe: {  	s25 =	sadd.s32 s12, s4;
	s26 =	sadd.s32 s12, s10;
	s5 =	sadd.s32 s6, s5  }
0xf: {  	v0 =	vlaneseq.u32;
	s12 =	sadd.s32 s13, s26;
	s26 =	simm.s32 $0x3;
	s5 =	sshrl.u32 s5, $0x3  }
0x10: {  	v1 =	vmul.u32 $0x3, v0;
	v4 =	vmul.u32 $0xFFFFFFFF, v0;
	s6 =	sshrl.u32 s21, $0x3;
	s23 =	sadd.s32 $0x63C00, s11;
	s24 =	sadd.s32 $0x64200, s11  }
0x11: {  	s11 =	sadd.s32 s13, s25;
	s13 =	simm.s32 $0x8;
	s25 =	simm.s32 $0x1  }
0x12: {  	v2 =	vimm.f32 $1.000000000e+00;
	v3 =	vadd.s32 $0x3, v1;
	v4 =	vadd.s32 $0xF, v4;
	s1 =	sadd.s32 s5, s1;
	s5 =	ssub.s32 s9, s22;
	s0 =	sadd.s32 s0, s6  }
0x13: {  	v5 =	vadd.s32 $0x33, v1;
	v6 =	vadd.s32 $0x63, v1;
	v7 =	vadd.s32 $0x93, v1;
	s6 =	sadd.s32 s4, s23;
	s7 =	sadd.s32 s10, s23;
	s8 =	sadd.s32 s4, s24  }
0x14: {  	v8 =	vadd.s32 $0xC3, v1;
	v9 =	vadd.s32 $0xF3, v1;
	v10 =	vadd.s32 $0x123, v1;
	s9 =	sadd.s32 s10, s24;
	s22 =	simm.s32 $0x15E80;
	s24 =	simm.s32 $0x1BE80  }
0x15: {  	v11 =	vadd.s32 $0x153, v1;
	v12 =	vadd.s32 $0x183, v1;
	v13 =	vadd.s32 $0x1B3, v1;
	[dreg:$0x5] =	wrdreg s0;
	s5 =	smax.u32 s5, $0x1;
	s23 =	sadd.s32 $0x3A00, s1  }
0x16: {  	v14 =	vadd.s32 $0x1E3, v1;
	v15 =	vadd.s32 $0x213, v1;
	v16 =	vadd.s32 $0x243, v1;
	s0 =	simm.s32 $0x6;
	s1 =	simm.s32 $0x0;
	[dreg:$0x6] =	wrdreg s5  }
.LBB2_1:
0x17: {  	[tilespmem:$0x0] =	vst v2  }
0x18: {  	[tilespmem:$0x6400] =	vst v2;
	s4 =	rddreg [dreg:$0x5]  }
0x19: {  	[tilespmem:s13], [sflag:$0x9] =	stream.linear.gather [hbm4b:s4+s2], $0x6400, $0x38;
	[tilespmem:$0x1EF80] =	vst v63  }
0x1a: {  	s17 =	simm.s32 $0x68;
	_ =	swait.ge [sflag:s14], $0x6400  }
0x1b: {  	s19 =	simm.s32 $0xC9E1;
	s21 =	simm.s32 $0x64E1;
	[sflag:s14] =	ssyncset.done $0x0  }
0x1c: {  	s10 =	smov.u32 s23;
	s4 =	simm.s32 $0x0;
	[sflag:s14] =	ssyncadd.s32 $0xFFFF9C00  }
.LBB2_2:
0x1d: {  	v17 =	vld [tilespmem:s17+$0xFFFFFFA0];
	_ =	sdelay $0x4  }
0x1e: {  	v17 =	vadd.f32 $1.000000000e+00, v17;
	_ =	sdelay $0x1  }
0x1f: {  	v17 =	vmul.f32 $5.000000000e-01, v17;
	_ =	sdelay $0x1  }
0x20: {  	v17 =	vtrunc.f32 v17  }
0x21: {  	v17 =	vcvt.f32.s32 v17;
	_ =	sdelay $0x1  }
0x22: {  	v18 =	vadd.s32 v3, v17  }
0x23: {  	[tilespmem:s21+$0xFFFFFFA0] =	vst v18  }
0x24: {  	[tilespmem:$0x1EE80] =	vst v17  }
0x25: {  	v17 =	vld [tilespmem:s17+$0x58];
	_ =	sdelay $0x4  }
0x26: {  	v17 =	vperm.xlane v17, v4;
	_ =	sdelay $0x1  }
0x27: {  	v17 =	vadd.f32 $1.000000000e+00, v17;
	_ =	sdelay $0x1  }
0x28: {  	v17 =	vmul.f32 $5.000000000e-01, v17;
	_ =	sdelay $0x1  }
0x29: {  	v17 =	vtrunc.f32 v17  }
0x2a: {  	v17 =	vcvt.f32.s32 v17;
	_ =	sdelay $0x1  }
0x2b: {  	v17 =	vadd.s32 v3, v17  }
0x2c: {  	[tilespmem:s19+$0xFFFFFFA0] =	vst v17  }
0x2d: {  	v17 =	vld [tilespmem:s17+$0xFFFFFFB0];
	_ =	sdelay $0x4  }
0x2e: {  	v17 =	vadd.f32 $1.000000000e+00, v17;
	_ =	sdelay $0x1  }
0x2f: {  	v17 =	vmul.f32 $5.000000000e-01, v17;
	_ =	sdelay $0x1  }
0x30: {  	v17 =	vtrunc.f32 v17  }
0x31: {  	v17 =	vcvt.f32.s32 v17;
	_ =	sdelay $0x1  }
0x32: {  	v18 =	vadd.s32 v5, v17  }
0x33: {  	[tilespmem:s21+$0xFFFFFFB0] =	vst v18  }
0x34: {  	[tilespmem:$0x1EE90] =	vst v17  }
0x35: {  	v17 =	vld [tilespmem:s17+$0x48];
	_ =	sdelay $0x4  }
0x36: {  	v17 =	vperm.xlane v17, v4;
	_ =	sdelay $0x1  }
0x37: {  	v17 =	vadd.f32 $1.000000000e+00, v17;
	_ =	sdelay $0x1  }
0x38: {  	v17 =	vmul.f32 $5.000000000e-01, v17;
	_ =	sdelay $0x1  }
0x39: {  	v17 =	vtrunc.f32 v17  }
0x3a: {  	v17 =	vcvt.f32.s32 v17;
	_ =	sdelay $0x1  }
0x3b: {  	v17 =	vadd.s32 v5, v17  }
0x3c: {  	[tilespmem:s19+$0xFFFFFFB0] =	vst v17  }
0x3d: {  	v17 =	vld [tilespmem:s17+$0xFFFFFFC0];
	_ =	sdelay $0x4  }
0x3e: {  	v17 =	vadd.f32 $1.000000000e+00, v17;
	_ =	sdelay $0x1  }
0x3f: {  	v17 =	vmul.f32 $5.000000000e-01, v17;
	_ =	sdelay $0x1  }
0x40: {  	v17 =	vtrunc.f32 v17  }
0x41: {  	v17 =	vcvt.f32.s32 v17;
	_ =	sdelay $0x1  }
0x42: {  	v18 =	vadd.s32 v6, v17  }
0x43: {  	[tilespmem:s21+$0xFFFFFFC0] =	vst v18  }
0x44: {  	[tilespmem:$0x1EEA0] =	vst v17  }
0x45: {  	v17 =	vld [tilespmem:s17+$0x38];
	_ =	sdelay $0x4  }
0x46: {  	v17 =	vperm.xlane v17, v4;
	_ =	sdelay $0x1  }
0x47: {  	v17 =	vadd.f32 $1.000000000e+00, v17;
	_ =	sdelay $0x1  }
0x48: {  	v17 =	vmul.f32 $5.000000000e-01, v17;
	_ =	sdelay $0x1  }
0x49: {  	v17 =	vtrunc.f32 v17  }
0x4a: {  	v17 =	vcvt.f32.s32 v17;
	_ =	sdelay $0x1  }
0x4b: {  	v17 =	vadd.s32 v6, v17  }
0x4c: {  	[tilespmem:s19+$0xFFFFFFC0] =	vst v17  }
0x4d: {  	v17 =	vld [tilespmem:s17+$0xFFFFFFD0];
	_ =	sdelay $0x4  }
0x4e: {  	v17 =	vadd.f32 $1.000000000e+00, v17;
	_ =	sdelay $0x1  }
0x4f: {  	v17 =	vmul.f32 $5.000000000e-01, v17;
	_ =	sdelay $0x1  }
0x50: {  	v17 =	vtrunc.f32 v17  }
0x51: {  	v17 =	vcvt.f32.s32 v17;
	_ =	sdelay $0x1  }
0x52: {  	v18 =	vadd.s32 v7, v17  }
0x53: {  	[tilespmem:s21+$0xFFFFFFD0] =	vst v18  }
0x54: {  	[tilespmem:$0x1EEB0] =	vst v17  }
0x55: {  	v17 =	vld [tilespmem:s17+$0x28];
	_ =	sdelay $0x4  }
0x56: {  	v17 =	vperm.xlane v17, v4;
	_ =	sdelay $0x1  }
0x57: {  	v17 =	vadd.f32 $1.000000000e+00, v17;
	_ =	sdelay $0x1  }
0x58: {  	v17 =	vmul.f32 $5.000000000e-01, v17;
	_ =	sdelay $0x1  }
0x59: {  	v17 =	vtrunc.f32 v17  }
0x5a: {  	v17 =	vcvt.f32.s32 v17;
	_ =	sdelay $0x1  }
0x5b: {  	v17 =	vadd.s32 v7, v17  }
0x5c: {  	[tilespmem:s19+$0xFFFFFFD0] =	vst v17  }
0x5d: {  	v17 =	vld [tilespmem:s17+$0xFFFFFFE0];
	_ =	sdelay $0x4  }
0x5e: {  	v17 =	vadd.f32 $1.000000000e+00, v17;
	_ =	sdelay $0x1  }
0x5f: {  	v17 =	vmul.f32 $5.000000000e-01, v17;
	_ =	sdelay $0x1  }
0x60: {  	v17 =	vtrunc.f32 v17  }
0x61: {  	v17 =	vcvt.f32.s32 v17;
	_ =	sdelay $0x1  }
0x62: {  	v18 =	vadd.s32 v8, v17  }
0x63: {  	[tilespmem:s21+$0xFFFFFFE0] =	vst v18  }
0x64: {  	s5 =	sand.u32 $0x7FF8, s4;
	[tilespmem:$0x1EEC0] =	vst v17  }
0x65: {  	v17 =	vld [tilespmem:s5+$0x80];
	_ =	sdelay $0x4  }
0x66: {  	v17 =	vperm.xlane v17, v4;
	_ =	sdelay $0x1  }
0x67: {  	v17 =	vadd.f32 $1.000000000e+00, v17;
	_ =	sdelay $0x1  }
0x68: {  	v17 =	vmul.f32 $5.000000000e-01, v17;
	_ =	sdelay $0x1  }
0x69: {  	v17 =	vtrunc.f32 v17  }
0x6a: {  	v17 =	vcvt.f32.s32 v17;
	_ =	sdelay $0x1  }
0x6b: {  	v17 =	vadd.s32 v8, v17  }
0x6c: {  	[tilespmem:s19+$0xFFFFFFE0] =	vst v17  }
0x6d: {  	v17 =	vld [tilespmem:s17+$0xFFFFFFF0];
	_ =	sdelay $0x4  }
0x6e: {  	v17 =	vadd.f32 $1.000000000e+00, v17;
	_ =	sdelay $0x1  }
0x6f: {  	v17 =	vmul.f32 $5.000000000e-01, v17;
	_ =	sdelay $0x1  }
0x70: {  	v17 =	vtrunc.f32 v17  }
0x71: {  	v17 =	vcvt.f32.s32 v17;
	_ =	sdelay $0x1  }
0x72: {  	v18 =	vadd.s32 v9, v17  }
0x73: {  	[tilespmem:s21+$0xFFFFFFF0] =	vst v18  }
0x74: {  	[tilespmem:$0x1EED0] =	vst v17  }
0x75: {  	v17 =	vld [tilespmem:s17+$0x8];
	_ =	sdelay $0x4  }
0x76: {  	v17 =	vperm.xlane v17, v4;
	_ =	sdelay $0x1  }
0x77: {  	v17 =	vadd.f32 $1.000000000e+00, v17;
	_ =	sdelay $0x1  }
0x78: {  	v17 =	vmul.f32 $5.000000000e-01, v17;
	_ =	sdelay $0x1  }
0x79: {  	v17 =	vtrunc.f32 v17  }
0x7a: {  	v17 =	vcvt.f32.s32 v17;
	_ =	sdelay $0x1  }
0x7b: {  	v17 =	vadd.s32 v9, v17  }
0x7c: {  	[tilespmem:s19+$0xFFFFFFF0] =	vst v17  }
0x7d: {  	v17 =	vld [tilespmem:s17+$0x0];
	_ =	sdelay $0x4  }
0x7e: {  	v17 =	vadd.f32 $1.000000000e+00, v17;
	_ =	sdelay $0x1  }
0x7f: {  	v17 =	vmul.f32 $5.000000000e-01, v17;
	_ =	sdelay $0x1  }
0x80: {  	v17 =	vtrunc.f32 v17  }
0x81: {  	v17 =	vcvt.f32.s32 v17;
	_ =	sdelay $0x1  }
0x82: {  	v18 =	vadd.s32 v10, v17  }
0x83: {  	[tilespmem:s21+$0x0] =	vst v18  }
0x84: {  	[tilespmem:$0x1EEE0] =	vst v17  }
0x85: {  	v17 =	vld [tilespmem:s17+$0xFFFFFFF8];
	_ =	sdelay $0x4  }
0x86: {  	v17 =	vperm.xlane v17, v4;
	_ =	sdelay $0x1  }
0x87: {  	v17 =	vadd.f32 $1.000000000e+00, v17;
	_ =	sdelay $0x1  }
0x88: {  	v17 =	vmul.f32 $5.000000000e-01, v17;
	_ =	sdelay $0x1  }
0x89: {  	v17 =	vtrunc.f32 v17  }
0x8a: {  	v17 =	vcvt.f32.s32 v17;
	_ =	sdelay $0x1  }
0x8b: {  	v17 =	vadd.s32 v10, v17  }
0x8c: {  	[tilespmem:s19+$0x0] =	vst v17  }
0x8d: {  	v17 =	vld [tilespmem:s17+$0x10];
	_ =	sdelay $0x4  }
0x8e: {  	v17 =	vadd.f32 $1.000000000e+00, v17;
	_ =	sdelay $0x1  }
0x8f: {  	v17 =	vmul.f32 $5.000000000e-01, v17;
	_ =	sdelay $0x1  }
0x90: {  	v17 =	vtrunc.f32 v17  }
0x91: {  	v17 =	vcvt.f32.s32 v17;
	_ =	sdelay $0x1  }
0x92: {  	v18 =	vadd.s32 v11, v17  }
0x93: {  	[tilespmem:s21+$0x10] =	vst v18  }
0x94: {  	[tilespmem:$0x1EEF0] =	vst v17  }
0x95: {  	v17 =	vld [tilespmem:s17+$0xFFFFFFE8];
	_ =	sdelay $0x4  }
0x96: {  	v17 =	vperm.xlane v17, v4;
	_ =	sdelay $0x1  }
0x97: {  	v17 =	vadd.f32 $1.000000000e+00, v17;
	_ =	sdelay $0x1  }
0x98: {  	v17 =	vmul.f32 $5.000000000e-01, v17;
	_ =	sdelay $0x1  }
0x99: {  	v17 =	vtrunc.f32 v17  }
0x9a: {  	v17 =	vcvt.f32.s32 v17;
	_ =	sdelay $0x1  }
0x9b: {  	v17 =	vadd.s32 v11, v17  }
0x9c: {  	[tilespmem:s19+$0x10] =	vst v17  }
0x9d: {  	v17 =	vld [tilespmem:s17+$0x20];
	_ =	sdelay $0x4  }
0x9e: {  	v17 =	vadd.f32 $1.000000000e+00, v17;
	_ =	sdelay $0x1  }
0x9f: {  	v17 =	vmul.f32 $5.000000000e-01, v17;
	_ =	sdelay $0x1  }
0xa0: {  	v17 =	vtrunc.f32 v17  }
0xa1: {  	v17 =	vcvt.f32.s32 v17;
	_ =	sdelay $0x1  }
0xa2: {  	v18 =	vadd.s32 v12, v17  }
0xa3: {  	[tilespmem:s21+$0x20] =	vst v18  }
0xa4: {  	[tilespmem:$0x1EF00] =	vst v17  }
0xa5: {  	v17 =	vld [tilespmem:s17+$0xFFFFFFD8];
	_ =	sdelay $0x4  }
0xa6: {  	v17 =	vperm.xlane v17, v4;
	_ =	sdelay $0x1  }
0xa7: {  	v17 =	vadd.f32 $1.000000000e+00, v17;
	_ =	sdelay $0x1  }
0xa8: {  	v17 =	vmul.f32 $5.000000000e-01, v17;
	_ =	sdelay $0x1  }
0xa9: {  	v17 =	vtrunc.f32 v17  }
0xaa: {  	v17 =	vcvt.f32.s32 v17;
	_ =	sdelay $0x1  }
0xab: {  	v17 =	vadd.s32 v12, v17  }
0xac: {  	[tilespmem:s19+$0x20] =	vst v17  }
0xad: {  	v17 =	vld [tilespmem:s17+$0x30];
	_ =	sdelay $0x4  }
0xae: {  	v17 =	vadd.f32 $1.000000000e+00, v17;
	_ =	sdelay $0x1  }
0xaf: {  	v17 =	vmul.f32 $5.000000000e-01, v17;
	_ =	sdelay $0x1  }
0xb0: {  	v17 =	vtrunc.f32 v17  }
0xb1: {  	v17 =	vcvt.f32.s32 v17;
	_ =	sdelay $0x1  }
0xb2: {  	v18 =	vadd.s32 v13, v17  }
0xb3: {  	[tilespmem:s21+$0x30] =	vst v18  }
0xb4: {  	[tilespmem:$0x1EF10] =	vst v17  }
0xb5: {  	v17 =	vld [tilespmem:s17+$0xFFFFFFC8];
	_ =	sdelay $0x4  }
0xb6: {  	v17 =	vperm.xlane v17, v4;
	_ =	sdelay $0x1  }
0xb7: {  	v17 =	vadd.f32 $1.000000000e+00, v17;
	_ =	sdelay $0x1  }
0xb8: {  	v17 =	vmul.f32 $5.000000000e-01, v17;
	_ =	sdelay $0x1  }
0xb9: {  	v17 =	vtrunc.f32 v17  }
0xba: {  	v17 =	vcvt.f32.s32 v17;
	_ =	sdelay $0x1  }
0xbb: {  	v17 =	vadd.s32 v13, v17  }
0xbc: {  	[tilespmem:s19+$0x30] =	vst v17  }
0xbd: {  	v17 =	vld [tilespmem:s17+$0x40];
	_ =	sdelay $0x4  }
0xbe: {  	v17 =	vadd.f32 $1.000000000e+00, v17;
	_ =	sdelay $0x1  }
0xbf: {  	v17 =	vmul.f32 $5.000000000e-01, v17;
	_ =	sdelay $0x1  }
0xc0: {  	v17 =	vtrunc.f32 v17  }
0xc1: {  	v17 =	vcvt.f32.s32 v17;
	_ =	sdelay $0x1  }
0xc2: {  	v18 =	vadd.s32 v14, v17  }
0xc3: {  	[tilespmem:s21+$0x40] =	vst v18  }
0xc4: {  	[tilespmem:$0x1EF20] =	vst v17  }
0xc5: {  	v17 =	vld [tilespmem:s17+$0xFFFFFFB8];
	_ =	sdelay $0x4  }
0xc6: {  	v17 =	vperm.xlane v17, v4;
	_ =	sdelay $0x1  }
0xc7: {  	v17 =	vadd.f32 $1.000000000e+00, v17;
	_ =	sdelay $0x1  }
0xc8: {  	v17 =	vmul.f32 $5.000000000e-01, v17;
	_ =	sdelay $0x1  }
0xc9: {  	v17 =	vtrunc.f32 v17  }
0xca: {  	v17 =	vcvt.f32.s32 v17;
	_ =	sdelay $0x1  }
0xcb: {  	v17 =	vadd.s32 v14, v17  }
0xcc: {  	[tilespmem:s19+$0x40] =	vst v17  }
0xcd: {  	v17 =	vld [tilespmem:s17+$0x50];
	_ =	sdelay $0x4  }
0xce: {  	v17 =	vadd.f32 $1.000000000e+00, v17;
	_ =	sdelay $0x1  }
0xcf: {  	v17 =	vmul.f32 $5.000000000e-01, v17;
	_ =	sdelay $0x1  }
0xd0: {  	v17 =	vtrunc.f32 v17  }
0xd1: {  	v17 =	vcvt.f32.s32 v17;
	_ =	sdelay $0x1  }
0xd2: {  	v18 =	vadd.s32 v15, v17  }
0xd3: {  	[tilespmem:s21+$0x50] =	vst v18  }
0xd4: {  	[tilespmem:$0x1EF30] =	vst v17  }
0xd5: {  	v17 =	vld [tilespmem:s17+$0xFFFFFFA8];
	_ =	sdelay $0x4  }
0xd6: {  	v17 =	vperm.xlane v17, v4;
	_ =	sdelay $0x1  }
0xd7: {  	v17 =	vadd.f32 $1.000000000e+00, v17;
	_ =	sdelay $0x1  }
0xd8: {  	v17 =	vmul.f32 $5.000000000e-01, v17;
	_ =	sdelay $0x1  }
0xd9: {  	v17 =	vtrunc.f32 v17  }
0xda: {  	v17 =	vcvt.f32.s32 v17;
	_ =	sdelay $0x1  }
0xdb: {  	v17 =	vadd.s32 v15, v17  }
0xdc: {  	[tilespmem:s19+$0x50] =	vst v17  }
0xdd: {  	v17 =	vld [tilespmem:s17+$0x60];
	_ =	sdelay $0x4  }
0xde: {  	v17 =	vadd.f32 $1.000000000e+00, v17;
	_ =	sdelay $0x1  }
0xdf: {  	v17 =	vmul.f32 $5.000000000e-01, v17;
	_ =	sdelay $0x1  }
0xe0: {  	v17 =	vtrunc.f32 v17  }
0xe1: {  	v17 =	vcvt.f32.s32 v17;
	_ =	sdelay $0x1  }
0xe2: {  	v18 =	vadd.s32 v16, v17  }
0xe3: {  	[tilespmem:s21+$0x60] =	vst v18  }
0xe4: {  	[tilespmem:$0x1EF40] =	vst v17  }
0xe5: {  	v17 =	vld [tilespmem:s17+$0xFFFFFF98];
	_ =	sdelay $0x4  }
0xe6: {  	v17 =	vperm.xlane v17, v4;
	_ =	sdelay $0x1  }
0xe7: {  	v17 =	vadd.f32 $1.000000000e+00, v17;
	_ =	sdelay $0x1  }
0xe8: {  	v17 =	vmul.f32 $5.000000000e-01, v17;
	_ =	sdelay $0x1  }
0xe9: {  	v17 =	vtrunc.f32 v17  }
0xea: {  	v17 =	vcvt.f32.s32 v17;
	_ =	sdelay $0x1  }
0xeb: {  	v17 =	vadd.s32 v16, v17  }
0xec: {  	[tilespmem:s19+$0x60] =	vst v17  }
0xed: {  	v17 =	vld [tilespmem:s17+$0xFFFFFF9F];
	_ =	sdelay $0x4  }
0xee: {  	v17 =	vadd.f32 $1.000000000e+00, v17;
	_ =	sdelay $0x1  }
0xef: {  	v17 =	vmul.f32 $5.000000000e-01, v17;
	_ =	sdelay $0x1  }
0xf0: {  	v17 =	vtrunc.f32 v17  }
0xf1: {  	v17 =	vcvt.f32.s32 v17  }
0xf2: {  	vm0 =	veq.s32 v0, $0x0  }
0xf3: {  	v17 =	vsel vm0, $0x2, v17  }
0xf4: {  	v17 =	vadd.s32 v1, v17  }
0xf5: {  	[tilespmem:s21+$0xFFFFFF9F] =	vst v17  }
0xf6: {  	v17 =	vld [tilespmem:s17+$0x59];
	_ =	sdelay $0x4  }
0xf7: {  	v17 =	vperm.xlane v17, v4;
	_ =	sdelay $0x1  }
0xf8: {  	v17 =	vadd.f32 $1.000000000e+00, v17;
	_ =	sdelay $0x1  }
0xf9: {  	v17 =	vmul.f32 $5.000000000e-01, v17;
	_ =	sdelay $0x1  }
0xfa: {  	v17 =	vtrunc.f32 v17  }
0xfb: {  	v17 =	vcvt.f32.s32 v17;
	_ =	sdelay $0x1  }
0xfc: {  	v17 =	vsel vm0, $0x2, v17  }
0xfd: {  	p0 =	sne.s32 s4, $0x6338;
	v17 =	vadd.s32 v1, v17  }
.Ltmp0:
0xfe: {  	[tilespmem:s19+$0xFFFFFF9F] =	vst v17;
	(pc) =	sbr.rel @p0 .LBB2_2-.Ltmp0, $4  }
0xff: {  	[hbm4b:s10+s2] =	stream.linear.scatter [tilespmem:s15], [sflag:$0x9], $0xC8, $0x38;
	[tilespmem:$0x1EF80] =	vst v63  }
0x100: {  	s4 =	sadd.s32 $0xC8, s4;
	_ =	swait.ge [sflag:s14], $0xC8  }
0x101: {  	s21 =	sadd.s32 $0xC9, s21;
	s17 =	sadd.s32 $0xC8, s17;
	[sflag:s14] =	ssyncset.done $0x0  }
0x102: {  	s19 =	sadd.s32 $0xC9, s19;
	s10 =	sadd.s32 $0x19, s10;
	[sflag:s14] =	ssyncadd.s32 $0xFFFFFF38  }
0x103: {  	s4 =	simm.s32 $0x6480  }
0x104: {  	[tilespmem:s18], [sflag:$0x1] =	stream.indirect.gather [hbm4b:s3+s16], $0x80, s4, s16, $0xb8;
	[tilespmem:$0x1EF80] =	vst v63  }
0x105: {  	s10 =	simm.s32 $0xC980  }
0x106: {  	[tilespmem:s20], [sflag:$0x3] =	stream.indirect.gather [hbm4b:s3+s16], $0x80, s10, s16, $0xb8;
	[tilespmem:$0x1EF80] =	vst v63  }
0x107: {  	s17 =	simm.s32 $0x64E0  }
0x108: {  	[tilespmem:s22], [sflag:$0x2] =	stream.indirect.gather [hbm4b:s3+s16], $0x80, s17, s16, $0xb8;
	[tilespmem:$0x1EF80] =	vst v63  }
0x109: {  	s19 =	simm.s32 $0xC9E0  }
0x10a: {  	[tilespmem:s24], [sflag:$0x4] =	stream.indirect.gather [hbm4b:s3+s16], $0x80, s19, s16, $0xb8;
	[tilespmem:$0x1EF80] =	vst v63  }
0x10b: {  	_ =	swait.ge [sflag:s25], $0x3000  }
0x10c: {  	[sflag:s25] =	ssyncset.done $0x0  }
0x10d: {  	[sflag:s25] =	ssyncadd.s32 $0xFFFFD000  }
0x10e: {  	_ =	swait.ge [sflag:s26], $0x3000  }
0x10f: {  	[sflag:s26] =	ssyncset.done $0x0  }
0x110: {  	s21 =	sadd.s32 $0x0, s11;
	[sflag:s26] =	ssyncadd.s32 $0xFFFFD000  }
0x111: {  	[hbm4b:s21+s2] =	stream.linear.scatter [tilespmem:s18], [sflag:$0x5], $0x3000, $0x38;
	[tilespmem:$0x1EF80] =	vst v63  }
0x112: {  	s5 =	sadd.s32 $0x0, s12  }
0x113: {  	[hbm4b:s5+s2] =	stream.linear.scatter [tilespmem:s20], [sflag:$0x7], $0x3000, $0x38;
	[tilespmem:$0x1EF80] =	vst v63  }
0x114: {  	_ =	swait.ge [sflag:s28], $0x3000  }
0x115: {  	[sflag:s28] =	ssyncset.done $0x0  }
0x116: {  	[sflag:s28] =	ssyncadd.s32 $0xFFFFD000  }
0x117: {  	_ =	swait.ge [sflag:s29], $0x3000  }
0x118: {  	[sflag:s29] =	ssyncset.done $0x0  }
0x119: {  	s4 =	sadd.s32 $0x600, s21;
	[sflag:s29] =	ssyncadd.s32 $0xFFFFD000  }
0x11a: {  	[hbm4b:s4+s2] =	stream.linear.scatter [tilespmem:s22], [sflag:$0x6], $0x3000, $0x38;
	[tilespmem:$0x1EF80] =	vst v63  }
0x11b: {  	s10 =	sadd.s32 $0x600, s5  }
0x11c: {  	[hbm4b:s10+s2] =	stream.linear.scatter [tilespmem:s24], [sflag:$0x8], $0x3000, $0x38;
	[tilespmem:$0x1EF80] =	vst v63  }
0x11d: {  	_ =	swait.ge [sflag:s30], $0x3000  }
0x11e: {  	[sflag:s30] =	ssyncset.done $0x0  }
0x11f: {  	[sflag:s30] =	ssyncadd.s32 $0xFFFFD000  }
0x120: {  	_ =	swait.ge [sflag:s31], $0x3000  }
0x121: {  	[sflag:s31] =	ssyncset.done $0x0  }
0x122: {  	s17 =	simm.s32 $0x6540;
	[sflag:s31] =	ssyncadd.s32 $0xFFFFD000  }
0x123: {  	[tilespmem:s18], [sflag:$0x1] =	stream.indirect.gather [hbm4b:s3+s16], $0x80, s17, s16, $0xb8;
	[tilespmem:$0x1EF80] =	vst v63  }
0x124: {  	s19 =	simm.s32 $0xCA40  }
0x125: {  	[tilespmem:s20], [sflag:$0x3] =	stream.indirect.gather [hbm4b:s3+s16], $0x80, s19, s16, $0xb8;
	[tilespmem:$0x1EF80] =	vst v63  }
0x126: {  	_ =	swait.ge [sflag:s0], $0x3000  }
0x127: {  	[sflag:s0] =	ssyncset.done $0x0  }
0x128: {  	[sflag:s0] =	ssyncadd.s32 $0xFFFFD000  }
0x129: {  	s21 =	simm.s32 $0x65A0;
	_ =	swait.ge [sflag:s13], $0x3000  }
0x12a: {  	s4 =	simm.s32 $0xCAA0;
	s10 =	simm.s32 $0xC00;
	[sflag:s13] =	ssyncset.done $0x0  }
0x12b: {  	s17 =	simm.s32 $0x6660;
	s19 =	simm.s32 $0xCB60;
	[sflag:s13] =	ssyncadd.s32 $0xFFFFD000  }
0x12c: {  	[tilespmem:s22], [sflag:$0x2] =	stream.indirect.gather [hbm4b:s3+s16], $0x80, s21, s16, $0xb8;
	[tilespmem:$0x1EF80] =	vst v63  }
.LBB2_4:
0x12d: {  	[tilespmem:s24], [sflag:$0x4] =	stream.indirect.gather [hbm4b:s3+s16], $0x80, s4, s16, $0xb8;
	[tilespmem:$0x1EF80] =	vst v63  }
0x12e: {  	s5 =	smov.u32 s10;
	s4 =	smov.u32 s19  }
0x12f: {  	p0 =	sne.s32 s10, $0x63000;
	s10 =	sadd.s32 $0xC00, s10;
	_ =	swait.ge [sflag:s25], $0x3000  }
0x130: {  	[sflag:s25] =	ssyncset.done $0x0  }
0x131: {  	[sflag:s25] =	ssyncadd.s32 $0xFFFFD000  }
0x132: {  	_ =	swait.ge [sflag:s26], $0x3000  }
0x133: {  	[sflag:s26] =	ssyncset.done $0x0  }
0x134: {  	s21 =	sadd.s32 s5, s11;
	[sflag:s26] =	ssyncadd.s32 $0xFFFFD000  }
0x135: {  	[hbm4b:s21+s2] =	stream.linear.scatter [tilespmem:s18], [sflag:$0x5], $0x3000, $0x38;
	[tilespmem:$0x1EF80] =	vst v63  }
0x136: {  	s5 =	sadd.s32 s5, s12  }
0x137: {  	[hbm4b:s5+s2] =	stream.linear.scatter [tilespmem:s20], [sflag:$0x7], $0x3000, $0x38;
	[tilespmem:$0x1EF80] =	vst v63  }
0x138: {  	_ =	swait.ge [sflag:s28], $0x3000  }
0x139: {  	[sflag:s28] =	ssyncset.done $0x0  }
0x13a: {  	[sflag:s28] =	ssyncadd.s32 $0xFFFFD000  }
0x13b: {  	_ =	swait.ge [sflag:s29], $0x3000  }
0x13c: {  	[sflag:s29] =	ssyncset.done $0x0  }
0x13d: {  	s21 =	sadd.s32 $0x600, s21;
	[sflag:s29] =	ssyncadd.s32 $0xFFFFD000  }
0x13e: {  	[hbm4b:s21+s2] =	stream.linear.scatter [tilespmem:s22], [sflag:$0x6], $0x3000, $0x38;
	[tilespmem:$0x1EF80] =	vst v63  }
0x13f: {  	s5 =	sadd.s32 $0x600, s5  }
0x140: {  	[hbm4b:s5+s2] =	stream.linear.scatter [tilespmem:s24], [sflag:$0x8], $0x3000, $0x38;
	[tilespmem:$0x1EF80] =	vst v63  }
0x141: {  	_ =	swait.ge [sflag:s30], $0x3000  }
0x142: {  	[sflag:s30] =	ssyncset.done $0x0  }
0x143: {  	[sflag:s30] =	ssyncadd.s32 $0xFFFFD000  }
0x144: {  	_ =	swait.ge [sflag:s31], $0x3000  }
0x145: {  	[sflag:s31] =	ssyncset.done $0x0  }
0x146: {  	s5 =	sadd.s32 $0xFFFFFFA0, s17;
	[sflag:s31] =	ssyncadd.s32 $0xFFFFD000  }
0x147: {  	[tilespmem:s18], [sflag:$0x1] =	stream.indirect.gather [hbm4b:s3+s16], $0x80, s5, s16, $0xb8;
	[tilespmem:$0x1EF80] =	vst v63  }
0x148: {  	s5 =	sadd.s32 $0xFFFFFFA0, s19  }
0x149: {  	[tilespmem:s20], [sflag:$0x3] =	stream.indirect.gather [hbm4b:s3+s16], $0x80, s5, s16, $0xb8;
	[tilespmem:$0x1EF80] =	vst v63  }
0x14a: {  	_ =	swait.ge [sflag:s0], $0x3000  }
0x14b: {  	[sflag:s0] =	ssyncset.done $0x0  }
0x14c: {  	[sflag:s0] =	ssyncadd.s32 $0xFFFFD000  }
.Ltmp1:
0x14d: {  	_ =	swait.ge [sflag:s13], $0x3000;
	(pc) =	sbr.rel @p0 .LBB2_4-.Ltmp1, $4  }
0x14e: {  	[sflag:s13] =	ssyncset.done $0x0  }
0x14f: {  	[sflag:s13] =	ssyncadd.s32 $0xFFFFD000  }
0x150: {  	[tilespmem:s22], [sflag:$0x2] =	stream.indirect.gather [hbm4b:s3+s16], $0x80, s17, s16, $0xb8;
	[tilespmem:$0x1EF80] =	vst v63  }
0x151: {  	s19 =	sadd.s32 $0xC0, s19;
	s17 =	sadd.s32 $0xC0, s17  }
0x152: {  	[tilespmem:s24], [sflag:$0x4] =	stream.indirect.gather [hbm4b:s3+s16], $0x80, s4, s16, $0xb8;
	[tilespmem:$0x1EF80] =	vst v63  }
0x153: {  	_ =	swait.ge [sflag:s25], $0x3000  }
0x154: {  	[sflag:s25] =	ssyncset.done $0x0  }
0x155: {  	[sflag:s25] =	ssyncadd.s32 $0xFFFFD000  }
0x156: {  	_ =	swait.ge [sflag:s26], $0x3000  }
0x157: {  	[sflag:s26] =	ssyncset.done $0x0  }
0x158: {  	[sflag:s26] =	ssyncadd.s32 $0xFFFFD000  }
0x159: {  	[hbm4b:s6+s2] =	stream.linear.scatter [tilespmem:s18], [sflag:$0x5], $0x3000, $0x38;
	[tilespmem:$0x1EF80] =	vst v63  }
0x15a: {  	_ = 	snop  }
0x15b: {  	[hbm4b:s7+s2] =	stream.linear.scatter [tilespmem:s20], [sflag:$0x7], $0x3000, $0x38;
	[tilespmem:$0x1EF80] =	vst v63  }
0x15c: {  	_ =	swait.ge [sflag:s28], $0x3000  }
0x15d: {  	[sflag:s28] =	ssyncset.done $0x0  }
0x15e: {  	[sflag:s28] =	ssyncadd.s32 $0xFFFFD000  }
0x15f: {  	_ =	swait.ge [sflag:s29], $0x3000  }
0x160: {  	[sflag:s29] =	ssyncset.done $0x0  }
0x161: {  	[sflag:s29] =	ssyncadd.s32 $0xFFFFD000  }
0x162: {  	[hbm4b:s8+s2] =	stream.linear.scatter [tilespmem:s22], [sflag:$0x6], $0x3000, $0x38;
	[tilespmem:$0x1EF80] =	vst v63  }
0x163: {  	_ = 	snop  }
0x164: {  	[hbm4b:s9+s2] =	stream.linear.scatter [tilespmem:s24], [sflag:$0x8], $0x3000, $0x38;
	[tilespmem:$0x1EF80] =	vst v63  }
0x165: {  	_ =	swait.ge [sflag:s30], $0x3000  }
0x166: {  	[sflag:s30] =	ssyncset.done $0x0  }
0x167: {  	[sflag:s30] =	ssyncadd.s32 $0xFFFFD000  }
0x168: {  	_ =	swait.ge [sflag:s31], $0x3000  }
0x169: {  	[sflag:s31] =	ssyncset.done $0x0  }
0x16a: {  	[sflag:s31] =	ssyncadd.s32 $0xFFFFD000  }
0x16b: {  	_ =	swait.ge [sflag:s0], $0x3000  }
0x16c: {  	[sflag:s0] =	ssyncset.done $0x0  }
0x16d: {  	[sflag:s0] =	ssyncadd.s32 $0xFFFFD000  }
0x16e: {  	_ =	swait.ge [sflag:s13], $0x3000  }
0x16f: {  	s1 =	sadd.s32 $0x1, s1;
	s21 =	rddreg [dreg:$0x6]  }
0x170: {  	p0 =	sne.s32 s1, s21  }
.Ltmp2:
0x171: {  	_ = 	snop;
	(pc) =	sbr.rel @p0 .LBB2_1-.Ltmp2, $3  }
0x172: {  	_ =	sdelay $0x1  }
0x173: {  	[sflag:s13] =	ssyncset.done $0x0  }
0x174: {  	[sflag:s13] =	ssyncadd.s32 $0xFFFFD000  }
0x175: {  	_ =	sfence.sel $0x180000  }
0x176: {  	[bflag:$0x0] =	sbarrier.arrive $0xFFFF  }
0x177: {  	_ =	strace $0x90000047  }
0x178: {  	s0 =	stileid.u32;
	[bflag:$0x2] =	sbarrier.arrive $0xFFFF  }
0x179: {  	p0 =	sne.s32 s0, $0x0;
	s0 =	rddreg [dreg:$0x4]  }
0x17a: {  	s0 =	sadd.s32 @!p0 $0x100000, s0  }
0x17b: {  	[sflag:s0] =	ssyncadd.tile.s32 @!p0 $0x1;
	_ =	shalt  }
.Lfunc_end2:
_tile_overlayer_lowered:
.L_overlay_start_2:
0x17c: {  	(tag) =	ssettag $0x2  }
0x17d: {  	s0 =	rddreg [dreg:$0x0];
	s2 =	stileid.u32  }
0x17e: {  	s1 =	rddreg [dreg:$0x1];
	p0 =	sne.s32 s2, $0x0  }
0x17f: {  	s3 =	rddreg [dreg:$0x2];
	[bflag:$0x3] =	sbarrier.arrive $0xFFFF;
	s2 =	simm.s32 @!p0 $0x1C09  }
0x180: {  	[timem:s3], [sflag:s2] =	dma.local @!p0 [hbm:s0], s1  }
0x181: {  	s0 =	simm.s32 @!p0 $0x9  }
0x182: {  	_ =	swait.ge @!p0 [sflag:s0], s1  }
0x183: {  	s1 =	ssub.s32 @!p0 $0x0, s1;
	[sflag:s0] =	ssyncset.done @!p0 $0x0  }
0x184: {  	[sflag:s0] =	ssyncadd.s32 @!p0 s1  }
0x185: {  	[bflag:$0x3] =	sbarrier.arrive $0xFFFF  }
0x186: {  	_ =	shalt  }

// kernel: sparse-core-data-format-call.1.cloned.1.call-start
scs
called_computation.1_lowered:
.L_overlay_start_0:
0x0: {  	s2 =	sld [smem:$0x3FD9]  }
0x1: {  	s3 =	sld [smem:$0x3FFE];
	_ =	sdelay $0x1  }
0x2: {  	s1 =	srdreg.scid  }
0x3: {  	s0 =	sand.u32 $0x1, s1  }
0x4: {  	s15 =	sshll.u32 s0, $0xA;
	s2 =	sadd.s32 s3, s2  }
0x5: {  	s2 =	sadd.s32 s2, s15  }
0x6: {  	[smem:$0x3FC6] =	sst s2  }
0x7: {  	_ = 	snop  }
0x8: {  	s2 =	sld [smem:$0x3FD0];
	_ =	sdelay $0x2  }
0x9: {  	s16 =	simm.s32 $0xB;
	s4 =	simm.s32 $0x10  }
0xa: {  	[smem:s4], [sflag:s16] =	dma.local [hbm:s2], $0x1  }
0xb: {  	_ =	swait.eq [sflag:s16], $0x1  }
0xc: {  	[sflag:s16] =	ssyncset.done $0x0  }
0xd: {  	[sflag:s16] =	ssyncadd.s32 $0xFFFFFFFF  }
0xe: {  	s17 =	sld [smem:$0x10];
	(tm) =	ssettm $0x1  }
0xf: {  	s18 =	sld [smem:$0x3FFB];
	_ =	sdelay $0x3  }
0x10: {  	_ =	strace s18  }
0x11: {  	s3 =	sld [smem:$0x3FFC];
	_ =	sdelay $0x3  }
0x12: {  	_ =	strace s3  }
0x13: {  	s3 =	sld [smem:$0x3FFD];
	_ =	sdelay $0x3  }
0x14: {  	_ =	strace s3  }
0x15: {  	_ =	strace $0x8FFFFFFF  }
0x16: {  	s19 =	sld [smem:$0x3FDB];
	_ =	sdelay $0x1  }
0x17: {  	s20 =	simm.s32 $_scs_section_size  }
0x18: {  	s5 =	simm.s32 $_size__tile_overlayer_lowered;
	s6 =	simm.s32 $_tile_overlayer_lowered  }
0x19: {  	s23 =	simm.s32 $0x1BFF;
	s22 =	sshll.u32 s6, $0x1;
	s3 =	sadd.s32 s20, s19  }
0x1a: {  	s7 =	simm.s32 $0x0;
	s21 =	sshll.u32 s5, $0x1;
	s5 =	sadd.s32 s22, s3  }
0x1b: {  	[timem:s7], [sflag:s23] =	dma.local [hbm:s5], s21  }
0x1c: {  	_ =	swait.ge [sflag:s23], s21  }
0x1d: {  	s4 =	ssub.s32 $0x0, s21;
	[sflag:s23] =	ssyncset.done $0x0  }
0x1e: {  	[sflag:s23] =	ssyncadd.s32 s4;
	_ =	sdelay $0x1  }
0x1f: {  	s24 =	simm.s32 $0x1B8B  }
0x20: {  	_ =	swait.ge [sflag:s24], $0x1  }
0x21: {  	[sflag:s24] =	ssyncset.done $0x0  }
0x22: {  	s26 =	simm.s32 $0x1B8E;
	s25 =	sld [smem:$0x3FFE];
	[sflag:s24] =	ssyncadd.s32 $0xFFFFFFFF  }
0x23: {  	s27 =	simm.s32 $execute0_lowered;
	[smem:$0x3FD2] =	sst s26  }
0x24: {  	s5 =	sshll.u32 s27, $0x1;
	_ =	strace $0x80000049;
	[dreg:$0x1] =	wrdreg $0xFFFFFFFF  }
0x25: {  	s28 =	simm.s32 $_size_execute0_lowered;
	s3 =	sadd.s32 s3, s5;
	[dreg:$0x0] =	wrdreg $0x0  }
0x26: {  	s5 =	sshll.u32 s28, $0x1;
	[dreg:$0x2] =	wrdreg s3  }
0x27: {  	[dreg:$0x3] =	wrdreg s5  }
0x28: {  	[dreg:$0x4] =	wrdreg $0xC0  }
0x29: {  	_ =	task [dreg:s7], $0x5FFFF  }
0x2a: {  	[dreg:$0x1] =	wrdreg $0xFFFFFFFF  }
0x2b: {  	[dreg:$0x0] =	wrdreg $0x60  }
0x2c: {  	[dreg:$0x2] =	wrdreg s25  }
0x2d: {  	[dreg:$0x3] =	wrdreg s17  }
0x2e: {  	[dreg:$0x4] =	wrdreg $0xA  }
0x2f: {  	_ =	task.clear_ibuf [dreg:s7], $0x5FFFF;
	_ =	strace $0x90000049  }
0x30: {  	s29 =	simm.s32 $0xA;
	_ =	strace $0x8000004B  }
0x31: {  	_ =	swait.ge [sflag:s29], $0x1  }
0x32: {  	[sflag:s29] =	ssyncadd.s32 $0xFFFFFFFF  }
0x33: {  	_ =	strace $0x9000004B  }
0x34: {  	_ =	sfence  }
0x35: {  	s30 =	sld [smem:$0x0];
	_ =	sdelay $0x2  }
0x36: {  	s31 =	sshll.u32 s1, $0xD;
	s1 =	sshrl.u32 s1, $0x2  }
0x37: {  	s3 =	sand.u32 $0x4000, s31;
	s1 =	sadd.s32 s1, s30  }
0x38: {  	s0 =	sor.u32 s3, s0;
	s1 =	sshll.u32 s1, $0x11  }
0x39: {  	s0 =	sor.u32 s1, s0  }
0x3a: {  	s0 =	sadd.s32 $0x8F2B, s0  }
0x3b: {  	[sflag:s0] =	ssyncadd.remote.s32 $0x1  }
0x3c: {  	_ =	sfence.sel $0xFFFF  }
0x3d: {  	[dreg:$0x0] =	wrdreg $0xFFFFFFFF;
	(pc) =	sbr.abs _section_cstart, $3  }
0x3e: {  	[dreg:$0x1] =	wrdreg $0xFFFFFFFF  }
0x3f: {  	_ =	task.clear_ibuf [dreg:s7], $0x2FFFF;
	_ =	strace $0x9FFFFFFF  }
0x40: {  	(tm) =	ssettm $0x7FFFFFFF  }
0x41: {  	_ =	shalt  }
tec
execute0_lowered:
.L_overlay_start_1:
0x0: {  	(tag) =	ssettag $0x1  }
0x1: {  	s0 =	srdreg.scid  }
0x2: {  	s1 =	sshll.u32 s0, $0x4  }
0x3: {  	s0 =	stileid.u32;
	s1 =	sand.u32 $0x10, s1  }
0x4: {  	s1 =	sor.u32 s0, s1  }
0x5: {  	s6 =	rddreg [dreg:$0x0];
	s4 =	simm.s32 $0x1;
	s2 =	sshll.u32 s1, $0x7  }
0x6: {  	s7 =	simm.s32 $0x2;
	s8 =	simm.s32 $0x0;
	s1 =	ssub.s32 $0x1000, s2  }
0x7: {  	s9 =	simm.s32 $0x0;
	s13 =	simm.s32 $0x0;
	s3 =	sand.u32 $0xF80, s1  }
0x8: {  	s14 =	simm.s32 $0x0;
	s5 =	sshrl.u32 s1, $0xC;
	p0 =	sne.s32 s3, $0x0  }
.Ltmp0:
0x9: {  	s1 =	rddreg [dreg:$0x2];
	s4 =	simm.s32 @!p0 $0x0;
	(pc) =	sbr.rel .LBB1_1-.Ltmp0, $4  }
0xa: {  	s10 =	simm.s32 $0x0;
	s3 =	rddreg [dreg:$0x1];
	s5 =	sadd.s32 s4, s5  }
0xb: {  	_ =	strace $0x8000004A;
	s4 =	simm.s32 $0x1;
	s5 =	smul.u32 $0xC9, s5  }
0xc: {  	s12 =	simm.s32 $0x0;
	s6 =	sadd.s32 $0x1CA00, s6;
	[sflag:s4] =	ssyncpa.u1 $0x0  }
0xd: {  	s11 =	smov.u32 s2;
	[sflag:s7] =	ssyncpa.u1 $0x0;
	s7 =	sadd.s32 $0x1, s5  }
.LBB1_4:
0xe: {  	_ =	sdelay $0x3  }
0xf: {  	[tilespmem:v0+s16+$0xFFFFFFD0 ss:$0x1] =	vst.idx.msk $0xffff, v6  }
0x10: {  	v56 =	vld.idx.msk [tilespmem:v1+s17+$0x0 ss:$0x1], $0xffff;
	[tilespmem:v0+s16+$0xFFFFFFE0 ss:$0x1] =	vst.idx.msk $0xffff, v4  }
0x11: {  	v57 =	vld.idx.msk [tilespmem:v1+s17+$0xFFFFFF90 ss:$0x1], $0xffff;
	[tilespmem:v0+s16+$0xFFFFFFF0 ss:$0x1] =	vst.idx.msk $0xffff, v2  }
0x12: {  	v58 =	vld.idx.msk [tilespmem:v1+s17+$0xFFFFFFA0 ss:$0x1], $0xffff;
	[tilespmem:v0+s16+$0x0 ss:$0x1] =	vst.idx.msk $0xffff, v3  }
0x13: {  	v59 =	vld.idx.msk [tilespmem:v1+s17+$0xFFFFFFB0 ss:$0x1], $0xffff;
	[tilespmem:v0+s16+$0x10 ss:$0x1] =	vst.idx.msk $0xffff, v5  }
0x14: {  	v60 =	vld.idx.msk [tilespmem:v1+s17+$0xFFFFFFC0 ss:$0x1], $0xffff;
	[tilespmem:v0+s16+$0x20 ss:$0x1] =	vst.idx.msk $0xffff, v7  }
0x15: {  	v61 =	vld.idx.msk [tilespmem:v1+s17+$0xFFFFFFD0 ss:$0x1], $0xffff;
	[tilespmem:v0+s17+$0x30 ss:$0x1] =	vst.idx.msk $0xffff, v56  }
0x16: {  	v62 =	vld.idx.msk [tilespmem:v1+s17+$0xFFFFFFE0 ss:$0x1], $0xffff;
	[tilespmem:v0+s17+$0xFFFFFFC0 ss:$0x1] =	vst.idx.msk $0xffff, v57  }
0x17: {  	v63 =	vld.idx.msk [tilespmem:v1+s17+$0xFFFFFFF0 ss:$0x1], $0xffff;
	[tilespmem:v0+s17+$0xFFFFFFD0 ss:$0x1] =	vst.idx.msk $0xffff, v58  }
0x18: {  	[tilespmem:v0+s17+$0xFFFFFFE0 ss:$0x1] =	vst.idx.msk $0xffff, v59  }
0x19: {  	s14 =	sshll.u32 s14, $0x4;
	[tilespmem:v0+s17+$0xFFFFFFF0 ss:$0x1] =	vst.idx.msk $0xffff, v60  }
0x1a: {  	s14 =	sand.u32 $0xFFF0, s14;
	[tilespmem:v0+s17+$0x0 ss:$0x1] =	vst.idx.msk $0xffff, v61  }
0x1b: {  	s13 =	sshll.u32 s13, $0x10;
	s14 =	sadd.s32 s3, s14;
	[tilespmem:v0+s17+$0x10 ss:$0x1] =	vst.idx.msk $0xffff, v62  }
0x1c: {  	s13 =	sadd.s32 s13, s14;
	[tilespmem:v0+s17+$0x20 ss:$0x1] =	vst.idx.msk $0xffff, v63  }
0x1d: {  	[hbm4b:s13+s8] =	stream.linear.scatter [tilespmem:s15], [sflag:$0x2], $0x4000, $0x38;
	[tilespmem:$0x10000] =	vst v63  }
.LBB1_5:
0x1e: {  	s15 =	sadd.s32 $0x1, s10  }
0x1f: {  	s13 =	sadd.s32 $0x1000, s11;
	s17 =	smov.u32 s11;
	p1 =	sgt.s32 s15, $0xC8  }
0x20: {  	s17 =	smov.u32 @p1 s13  }
0x21: {  	s15 =	simm.s32 @p1 $0x0;
	p1 =	sgt.s32 s17, $0xFFF  }
0x22: {  	s17 =	smov.u32 @p1 s2;
	p1 =	sne.s32 s12, s7  }
.Ltmp1:
0x23: {  	p0 =	slt.u32 s12, $0x2;
	(pc) =	sbr.rel @!p1 .LBB1_6-.Ltmp1, $4  }
0x24: {  	s16 =	simm.s32 @!p0 $0x2  }
0x25: {  	s14 =	smov.u32 s11;
	s9 =	sadd.s32 $0x4000, s9;
	_ =	swait.ge @!p0 [sflag:s16], $0x4000  }
0x26: {  	s13 =	smov.u32 s10;
	[sflag:s16] =	ssyncset.done @!p0 $0x0;
	s10 =	smov.u32 s15  }
0x27: {  	s12 =	sadd.s32 $0x1, s12;
	[sflag:s16] =	ssyncadd.s32 @!p0 $0xFFFFC000;
	s11 =	smov.u32 s17  }
.LBB1_1:
0x28: {  	p0 =	sge.u32 s12, s5  }
0x29: {  	s15 =	sand.u32 @!p0 $0x1FFFFFF, s10  }
0x2a: {  	s16 =	smulhi.u32 @!p0 $0x2762763, s15;
	_ =	sdelay $0x1  }
0x2b: {  	s16 =	sshrl.u32 @!p0 s16, $0x1  }
0x2c: {  	s16 =	smul.u32 @!p0 $0xD0, s16  }
0x2d: {  	s17 =	sxor.u32 @!p0 $0xFFFFFFFF, s12;
	s18 =	smul.u32 @!p0 $0xD00, s11  }
0x2e: {  	s31 =	sadd.s32 $0xFFFFFFFF, s12;
	s17 =	sshll.u32 @!p0 s17, $0xE;
	s15 =	ssub.s32 @!p0 s15, s16  }
0x2f: {  	s16 =	sand.u32 @!p0 $0x4000, s17;
	s17 =	sadd.s32 @!p0 s6, s18;
	s15 =	sshll.u32 @!p0 s15, $0x4  }
0x30: {  	s18 =	simm.s32 @!p0 $0x6800;
	s15 =	sadd.s32 @!p0 s15, s17;
	s17 =	simm.s32 @!p0 $0x80  }
0x31: {  	[tilespmem:s16], [sflag:$0x1] =	stream.strided.gather @!p0 [hbm4b:s15+s17], $0x4000, s18, s17, $0x38;
	[tilespmem:$0x10000] =	vst v63  }
0x32: {  	p0 =	sge.u32 s31, s5  }
.Ltmp2:
0x33: {  	_ = 	snop;
	(pc) =	sbr.rel @p0 .LBB1_5-.Ltmp2, $1  }
0x34: {  	_ =	sdelay $0x3  }
0x35: {  	s15 =	sand.u32 $0x4000, s9  }
0x36: {  	s16 =	sor.u32 $0x70, s15  }
0x37: {  	v1 =	vmov s16;
	_ =	sdelay $0x1  }
0x38: {  	_ =	swait.ge [sflag:s4], $0x4000  }
0x39: {  	[sflag:s4] =	ssyncset.done $0x0  }
0x3a: {  	[sflag:s4] =	ssyncadd.s32 $0xFFFFC000;
	s16 =	simm.s32 $0x0  }
0x3b: {  	s15 =	sor.u32 $0x8040, s15;
	v7 =	vld.idx.msk [tilespmem:v1+s16+$0x0 ss:$0x1], $0xffff  }
0x3c: {  	v0 =	vmov s15;
	v8 =	vld.idx.msk [tilespmem:v1+s16+$0xFFFFFF90 ss:$0x1], $0xffff  }
0x3d: {  	v6 =	vld.idx.msk [tilespmem:v1+s16+$0xFFFFFFA0 ss:$0x1], $0xffff  }
0x3e: {  	v4 =	vld.idx.msk [tilespmem:v1+s16+$0xFFFFFFB0 ss:$0x1], $0xffff  }
0x3f: {  	v2 =	vld.idx.msk [tilespmem:v1+s16+$0xFFFFFFC0 ss:$0x1], $0xffff  }
0x40: {  	s31 =	sshll.u32 s12, $0xE;
	v3 =	vld.idx.msk [tilespmem:v1+s16+$0xFFFFFFD0 ss:$0x1], $0xffff  }
0x41: {  	s15 =	sand.u32 $0x4000, s31;
	v5 =	vld.idx.msk [tilespmem:v1+s16+$0xFFFFFFE0 ss:$0x1], $0xffff;
	[tilespmem:v0+s16+$0x30 ss:$0x1] =	vst.idx.msk $0xffff, v7  }
0x42: {  	s17 =	simm.s32 $0x80;
	s18 =	simm.s32 $0x400;
	s15 =	sor.u32 $0x8000, s15;
	[tilespmem:v0+s16+$0xFFFFFFC0 ss:$0x1] =	vst.idx.msk $0xffff, v8;
	v7 =	vld.idx.msk [tilespmem:v1+s16+$0xFFFFFFF0 ss:$0x1], $0xffff  }
.LBB1_3:
0x43: {  	p0 =	sne.s32 s18, $0xFE00;
	v8 =	vld.idx.msk [tilespmem:v1+s17+$0x0 ss:$0x1], $0xffff;
	[tilespmem:v0+s16+$0xFFFFFFD0 ss:$0x1] =	vst.idx.msk $0xffff, v6  }
0x44: {  	v9 =	vld.idx.msk [tilespmem:v1+s17+$0xFFFFFF90 ss:$0x1], $0xffff;
	[tilespmem:v0+s16+$0xFFFFFFE0 ss:$0x1] =	vst.idx.msk $0xffff, v4  }
0x45: {  	v6 =	vld.idx.msk [tilespmem:v1+s17+$0xFFFFFFA0 ss:$0x1], $0xffff;
	[tilespmem:v0+s16+$0xFFFFFFF0 ss:$0x1] =	vst.idx.msk $0xffff, v2  }
.Ltmp3:
0x46: {  	v4 =	vld.idx.msk [tilespmem:v1+s17+$0xFFFFFFB0 ss:$0x1], $0xffff;
	[tilespmem:v0+s16+$0x0 ss:$0x1] =	vst.idx.msk $0xffff, v3;
	(pc) =	sbr.rel @p0 .LBB1_3-.Ltmp3, $4  }
0x47: {  	v2 =	vld.idx.msk [tilespmem:v1+s17+$0xFFFFFFC0 ss:$0x1], $0xffff;
	[tilespmem:v0+s16+$0x10 ss:$0x1] =	vst.idx.msk $0xffff, v5  }
0x48: {  	v3 =	vld.idx.msk [tilespmem:v1+s17+$0xFFFFFFD0 ss:$0x1], $0xffff;
	[tilespmem:v0+s16+$0x20 ss:$0x1] =	vst.idx.msk $0xffff, v7;
	s16 =	smov.u32 s17  }
0x49: {  	v5 =	vld.idx.msk [tilespmem:v1+s16+$0xFFFFFFE0 ss:$0x1], $0xffff;
	[tilespmem:v0+s16+$0x30 ss:$0x1] =	vst.idx.msk $0xffff, v8  }
0x4a: {  	s17 =	sshra.s32 s18, $0x2;
	s18 =	sadd.s32 $0x200, s18;
	[tilespmem:v0+s16+$0xFFFFFFC0 ss:$0x1] =	vst.idx.msk $0xffff, v9;
	v7 =	vld.idx.msk [tilespmem:v1+s16+$0xFFFFFFF0 ss:$0x1], $0xffff  }
.Ltmp4:
0x4b: {  	_ = 	snop;
	(pc) =	sbr.rel .LBB1_4-.Ltmp4, $1  }
0x4c: {  	_ =	sdelay $0x3  }
.LBB1_6:
0x4d: {  	_ =	sfence.sel $0x180000  }
0x4e: {  	s2 =	simm.s32 $0x1;
	[bflag:$0x0] =	sbarrier.arrive $0xFFFF  }
0x4f: {  	s31 =	simm.s32 $0x2;
	[sflag:s2] =	ssyncpa.u1 $0x1  }
0x50: {  	[sflag:s31] =	ssyncpa.u1 $0x1  }
0x51: {  	p0 =	sne.s32 s0, $0x0;
	_ =	strace $0x9000004A  }
0x52: {  	s0 =	sadd.s32 @!p0 $0x100000, s1;
	[bflag:$0x2] =	sbarrier.arrive $0xFFFF  }
0x53: {  	[sflag:s0] =	ssyncadd.tile.s32 @!p0 $0x1;
	_ =	shalt  }
.Lfunc_end1:
_tile_overlayer_lowered:
.L_overlay_start_2:
0x54: {  	(tag) =	ssettag $0x2  }
0x55: {  	s0 =	rddreg [dreg:$0x0];
	s2 =	stileid.u32  }
0x56: {  	s1 =	rddreg [dreg:$0x1];
	p0 =	sne.s32 s2, $0x0  }
0x57: {  	s3 =	rddreg [dreg:$0x2];
	[bflag:$0x3] =	sbarrier.arrive $0xFFFF;
	s2 =	simm.s32 @!p0 $0x1C01  }
0x58: {  	[timem:s3], [sflag:s2] =	dma.local @!p0 [hbm:s0], s1  }
0x59: {  	s0 =	simm.s32 @!p0 $0x1  }
0x5a: {  	_ =	swait.ge @!p0 [sflag:s0], s1  }
0x5b: {  	s1 =	ssub.s32 @!p0 $0x0, s1;
	[sflag:s0] =	ssyncset.done @!p0 $0x0  }
0x5c: {  	[sflag:s0] =	ssyncadd.s32 @!p0 s1  }
0x5d: {  	[bflag:$0x3] =	sbarrier.arrive $0xFFFF  }
0x5e: {  	_ =	shalt  }

// kernel: sparse-core-data-format-call.cloned.1.call-start
scs
called_computation_lowered:
.L_overlay_start_0:
0x0: {  	s2 =	sld [smem:$0x3FD9]  }
0x1: {  	s3 =	sld [smem:$0x3FFE];
	_ =	sdelay $0x1  }
0x2: {  	s1 =	srdreg.scid  }
0x3: {  	s0 =	sand.u32 $0x1, s1  }
0x4: {  	s16 =	sshll.u32 s0, $0xA;
	s2 =	sadd.s32 s3, s2  }
0x5: {  	s2 =	sadd.s32 s2, s16  }
0x6: {  	[smem:$0x3FC6] =	sst s2  }
0x7: {  	_ = 	snop  }
0x8: {  	s2 =	sld [smem:$0x3FD0];
	_ =	sdelay $0x2  }
0x9: {  	s17 =	simm.s32 $0xB;
	s4 =	simm.s32 $0x10  }
0xa: {  	[smem:s4], [sflag:s17] =	dma.local [hbm:s2], $0x1  }
0xb: {  	_ =	swait.eq [sflag:s17], $0x1  }
0xc: {  	[sflag:s17] =	ssyncset.done $0x0  }
0xd: {  	[sflag:s17] =	ssyncadd.s32 $0xFFFFFFFF  }
0xe: {  	s18 =	sld [smem:$0x11];
	(tm) =	ssettm $0x1  }
0xf: {  	s19 =	sld [smem:$0x3FFB];
	_ =	sdelay $0x3  }
0x10: {  	_ =	strace s19  }
0x11: {  	s2 =	sld [smem:$0x3FFC];
	_ =	sdelay $0x3  }
0x12: {  	_ =	strace s2  }
0x13: {  	s2 =	sld [smem:$0x3FFD];
	_ =	sdelay $0x3  }
0x14: {  	_ =	strace s2  }
0x15: {  	_ =	strace $0x8FFFFFFF  }
0x16: {  	s20 =	sld [smem:$0x3FDB];
	_ =	sdelay $0x1  }
0x17: {  	s21 =	simm.s32 $_scs_section_size  }
0x18: {  	s5 =	simm.s32 $_size__tile_overlayer_lowered;
	s6 =	simm.s32 $_tile_overlayer_lowered  }
0x19: {  	s7 =	simm.s32 $0x1BFF;
	s22 =	sshll.u32 s6, $0x1;
	s4 =	sadd.s32 s21, s20  }
0x1a: {  	s23 =	simm.s32 $0x0;
	s5 =	sshll.u32 s5, $0x1;
	s6 =	sadd.s32 s22, s4  }
0x1b: {  	[timem:s23], [sflag:s7] =	dma.local [hbm:s6], s5  }
0x1c: {  	_ =	swait.ge [sflag:s7], s5  }
0x1d: {  	s5 =	ssub.s32 $0x0, s5;
	[sflag:s7] =	ssyncset.done $0x0  }
0x1e: {  	[sflag:s7] =	ssyncadd.s32 s5;
	_ =	sdelay $0x1  }
0x1f: {  	s24 =	simm.s32 $0x1B8B  }
0x20: {  	_ =	swait.ge [sflag:s24], $0x1  }
0x21: {  	[sflag:s24] =	ssyncset.done $0x0  }
0x22: {  	[sflag:s24] =	ssyncadd.s32 $0xFFFFFFFF  }
0x23: {  	s5 =	sld [smem:$0x0]  }
0x24: {  	s6 =	sand.u32 $0xFFFFFFFE, s1  }
0x25: {  	p0 =	sne.s32 s1, s6  }
0x26: {  	s6 =	sshll.u32 @p0 s6, $0xE  }
0x27: {  	s6 =	sadd.s32 @p0 $0x11B8D, s6;
	s7 =	sshll.u32 @p0 s5, $0x11  }
0x28: {  	s6 =	sor.u32 @p0 s7, s6  }
0x29: {  	[sflag:s6] =	ssyncadd.remote.s32 @p0 $0x1;
	_ =	sdelay $0x1  }
0x2a: {  	s6 =	simm.s32 @p0 $0x1B8D  }
0x2b: {  	_ =	swait.eq @p0 [sflag:s6], $0x1  }
0x2c: {  	[sflag:s6] =	ssyncadd.s32 @p0 $0xFFFFFFFF  }
0x2d: {  	s7 =	sshll.u32 @!p0 s1, $0xE  }
0x2e: {  	s7 =	sor.u32 @!p0 $0x4000, s7;
	s6 =	simm.s32 @!p0 $0x1B8D  }
0x2f: {  	s5 =	sshll.u32 @!p0 s5, $0x11;
	s7 =	sadd.s32 @!p0 $0x11B8D, s7;
	_ =	swait.eq @!p0 [sflag:s6], $0x1  }
0x30: {  	s5 =	sor.u32 @!p0 s5, s7;
	[sflag:s6] =	ssyncadd.s32 @!p0 $0xFFFFFFFF  }
0x31: {  	s26 =	simm.s32 $0x1B8E;
	s25 =	sld [smem:$0x3FFE];
	[sflag:s5] =	ssyncadd.remote.s32 @!p0 $0x1  }
0x32: {  	s27 =	simm.s32 $execute0_lowered;
	[smem:$0x3FD2] =	sst s26  }
0x33: {  	s6 =	sshll.u32 s27, $0x1;
	_ =	strace $0x8000004C;
	[dreg:$0x1] =	wrdreg $0xFFFFFFFF  }
0x34: {  	s28 =	simm.s32 $_size_execute0_lowered;
	s4 =	sadd.s32 s4, s6;
	[dreg:$0x0] =	wrdreg $0x0  }
0x35: {  	s6 =	sshll.u32 s28, $0x1;
	[dreg:$0x2] =	wrdreg s4  }
0x36: {  	[dreg:$0x3] =	wrdreg s6  }
0x37: {  	[dreg:$0x4] =	wrdreg $0xC0  }
0x38: {  	_ =	task [dreg:s23], $0x5FFFF  }
0x39: {  	[dreg:$0x1] =	wrdreg $0xFFFFFFFF  }
0x3a: {  	[dreg:$0x0] =	wrdreg $0x60  }
0x3b: {  	[dreg:$0x2] =	wrdreg s25  }
0x3c: {  	[dreg:$0x3] =	wrdreg s18  }
0x3d: {  	[dreg:$0x4] =	wrdreg $0x9  }
0x3e: {  	_ =	task.clear_ibuf [dreg:s23], $0x5FFFF;
	_ =	strace $0x9000004C  }
0x3f: {  	s29 =	simm.s32 $0x9;
	_ =	strace $0x8000004E  }
0x40: {  	_ =	swait.ge [sflag:s29], $0x1  }
0x41: {  	[sflag:s29] =	ssyncadd.s32 $0xFFFFFFFF  }
0x42: {  	_ =	strace $0x9000004E  }
0x43: {  	_ =	sfence  }
0x44: {  	s30 =	sld [smem:$0x0];
	_ =	sdelay $0x2  }
0x45: {  	s31 =	sshll.u32 s1, $0xD;
	s1 =	sshrl.u32 s1, $0x2  }
0x46: {  	s4 =	sand.u32 $0x4000, s31;
	s1 =	sadd.s32 s1, s30  }
0x47: {  	s0 =	sor.u32 s4, s0;
	s1 =	sshll.u32 s1, $0x11  }
0x48: {  	s0 =	sor.u32 s1, s0  }
0x49: {  	s0 =	sadd.s32 $0x8F2B, s0  }
0x4a: {  	[sflag:s0] =	ssyncadd.remote.s32 $0x1  }
0x4b: {  	_ =	sfence.sel $0xFFFF  }
0x4c: {  	[dreg:$0x0] =	wrdreg $0xFFFFFFFF;
	(pc) =	sbr.abs _section_cstart, $3  }
0x4d: {  	[dreg:$0x1] =	wrdreg $0xFFFFFFFF  }
0x4e: {  	_ =	task.clear_ibuf [dreg:s23], $0x2FFFF;
	_ =	strace $0x9FFFFFFF  }
0x4f: {  	(tm) =	ssettm $0x7FFFFFFF  }
tec
execute0_lowered:
.L_overlay_start_1:
0x0: {  	(tag) =	ssettag $0x1  }
0x1: {  	s0 =	srdreg.scid  }
0x2: {  	s1 =	sshll.u32 s0, $0x4  }
0x3: {  	s0 =	stileid.u32;
	s1 =	sand.u32 $0x10, s1  }
0x4: {  	s1 =	sor.u32 s0, s1  }
0x5: {  	s6 =	rddreg [dreg:$0x0];
	s4 =	simm.s32 $0x1;
	s2 =	sshll.u32 s1, $0x7  }
0x6: {  	s7 =	simm.s32 $0x2;
	s8 =	simm.s32 $0x0;
	s1 =	ssub.s32 $0x1000, s2  }
0x7: {  	s9 =	simm.s32 $0x0;
	s13 =	simm.s32 $0x0;
	s3 =	sand.u32 $0xF80, s1  }
0x8: {  	s14 =	simm.s32 $0x0;
	s5 =	sshrl.u32 s1, $0xC;
	p0 =	sne.s32 s3, $0x0  }
.Ltmp0:
0x9: {  	s1 =	rddreg [dreg:$0x2];
	s4 =	simm.s32 @!p0 $0x0;
	(pc) =	sbr.rel .LBB1_1-.Ltmp0, $4  }
0xa: {  	s10 =	simm.s32 $0x0;
	s3 =	rddreg [dreg:$0x1];
	s5 =	sadd.s32 s4, s5  }
0xb: {  	_ =	strace $0x8000004D;
	s4 =	simm.s32 $0x1;
	s5 =	smul.u32 $0xC9, s5  }
0xc: {  	s12 =	simm.s32 $0x0;
	s6 =	sadd.s32 $0xD1CA00, s6;
	[sflag:s4] =	ssyncpa.u1 $0x0  }
0xd: {  	s11 =	smov.u32 s2;
	[sflag:s7] =	ssyncpa.u1 $0x0;
	s7 =	sadd.s32 $0x1, s5  }
.LBB1_4:
0xe: {  	_ =	sdelay $0x3  }
0xf: {  	[tilespmem:v0+s16+$0xFFFFFFD0 ss:$0x1] =	vst.idx.msk $0xffff, v6  }
0x10: {  	v56 =	vld.idx.msk [tilespmem:v1+s17+$0x0 ss:$0x1], $0xffff;
	[tilespmem:v0+s16+$0xFFFFFFE0 ss:$0x1] =	vst.idx.msk $0xffff, v4  }
0x11: {  	v57 =	vld.idx.msk [tilespmem:v1+s17+$0xFFFFFF90 ss:$0x1], $0xffff;
	[tilespmem:v0+s16+$0xFFFFFFF0 ss:$0x1] =	vst.idx.msk $0xffff, v2  }
0x12: {  	v58 =	vld.idx.msk [tilespmem:v1+s17+$0xFFFFFFA0 ss:$0x1], $0xffff;
	[tilespmem:v0+s16+$0x0 ss:$0x1] =	vst.idx.msk $0xffff, v3  }
0x13: {  	v59 =	vld.idx.msk [tilespmem:v1+s17+$0xFFFFFFB0 ss:$0x1], $0xffff;
	[tilespmem:v0+s16+$0x10 ss:$0x1] =	vst.idx.msk $0xffff, v5  }
0x14: {  	v60 =	vld.idx.msk [tilespmem:v1+s17+$0xFFFFFFC0 ss:$0x1], $0xffff;
	[tilespmem:v0+s16+$0x20 ss:$0x1] =	vst.idx.msk $0xffff, v7  }
0x15: {  	v61 =	vld.idx.msk [tilespmem:v1+s17+$0xFFFFFFD0 ss:$0x1], $0xffff;
	[tilespmem:v0+s17+$0x30 ss:$0x1] =	vst.idx.msk $0xffff, v56  }
0x16: {  	v62 =	vld.idx.msk [tilespmem:v1+s17+$0xFFFFFFE0 ss:$0x1], $0xffff;
	[tilespmem:v0+s17+$0xFFFFFFC0 ss:$0x1] =	vst.idx.msk $0xffff, v57  }
0x17: {  	v63 =	vld.idx.msk [tilespmem:v1+s17+$0xFFFFFFF0 ss:$0x1], $0xffff;
	[tilespmem:v0+s17+$0xFFFFFFD0 ss:$0x1] =	vst.idx.msk $0xffff, v58  }
0x18: {  	[tilespmem:v0+s17+$0xFFFFFFE0 ss:$0x1] =	vst.idx.msk $0xffff, v59  }
0x19: {  	s14 =	sshll.u32 s14, $0x4;
	[tilespmem:v0+s17+$0xFFFFFFF0 ss:$0x1] =	vst.idx.msk $0xffff, v60  }
0x1a: {  	s14 =	sand.u32 $0xFFF0, s14;
	[tilespmem:v0+s17+$0x0 ss:$0x1] =	vst.idx.msk $0xffff, v61  }
0x1b: {  	s13 =	sshll.u32 s13, $0x10;
	s14 =	sadd.s32 s3, s14;
	[tilespmem:v0+s17+$0x10 ss:$0x1] =	vst.idx.msk $0xffff, v62  }
0x1c: {  	s13 =	sadd.s32 s13, s14;
	[tilespmem:v0+s17+$0x20 ss:$0x1] =	vst.idx.msk $0xffff, v63  }
0x1d: {  	[hbm4b:s13+s8] =	stream.linear.scatter [tilespmem:s15], [sflag:$0x2], $0x4000, $0x38;
	[tilespmem:$0x10000] =	vst v63  }
.LBB1_5:
0x1e: {  	s15 =	sadd.s32 $0x1, s10  }
0x1f: {  	s13 =	sadd.s32 $0x1000, s11;
	s17 =	smov.u32 s11;
	p1 =	sgt.s32 s15, $0xC8  }
0x20: {  	s17 =	smov.u32 @p1 s13  }
0x21: {  	s15 =	simm.s32 @p1 $0x0;
	p1 =	sgt.s32 s17, $0xFFF  }
0x22: {  	s17 =	smov.u32 @p1 s2;
	p1 =	sne.s32 s12, s7  }
.Ltmp1:
0x23: {  	p0 =	slt.u32 s12, $0x2;
	(pc) =	sbr.rel @!p1 .LBB1_6-.Ltmp1, $4  }
0x24: {  	s16 =	simm.s32 @!p0 $0x2  }
0x25: {  	s14 =	smov.u32 s11;
	s9 =	sadd.s32 $0x4000, s9;
	_ =	swait.ge @!p0 [sflag:s16], $0x4000  }
0x26: {  	s13 =	smov.u32 s10;
	[sflag:s16] =	ssyncset.done @!p0 $0x0;
	s10 =	smov.u32 s15  }
0x27: {  	s12 =	sadd.s32 $0x1, s12;
	[sflag:s16] =	ssyncadd.s32 @!p0 $0xFFFFC000;
	s11 =	smov.u32 s17  }
.LBB1_1:
0x28: {  	p0 =	sge.u32 s12, s5  }
0x29: {  	s15 =	sand.u32 @!p0 $0x1FFFFFF, s10  }
0x2a: {  	s16 =	smulhi.u32 @!p0 $0x2762763, s15;
	_ =	sdelay $0x1  }
0x2b: {  	s16 =	sshrl.u32 @!p0 s16, $0x1  }
0x2c: {  	s16 =	smul.u32 @!p0 $0xD0, s16  }
0x2d: {  	s17 =	sxor.u32 @!p0 $0xFFFFFFFF, s12;
	s18 =	smul.u32 @!p0 $0xD00, s11  }
0x2e: {  	s31 =	sadd.s32 $0xFFFFFFFF, s12;
	s17 =	sshll.u32 @!p0 s17, $0xE;
	s15 =	ssub.s32 @!p0 s15, s16  }
0x2f: {  	s16 =	sand.u32 @!p0 $0x4000, s17;
	s17 =	sadd.s32 @!p0 s6, s18;
	s15 =	sshll.u32 @!p0 s15, $0x4  }
0x30: {  	s18 =	simm.s32 @!p0 $0x6800;
	s15 =	sadd.s32 @!p0 s15, s17;
	s17 =	simm.s32 @!p0 $0x80  }
0x31: {  	[tilespmem:s16], [sflag:$0x1] =	stream.strided.gather @!p0 [hbm4b:s15+s17], $0x4000, s18, s17, $0x38;
	[tilespmem:$0x10000] =	vst v63  }
0x32: {  	p0 =	sge.u32 s31, s5  }
.Ltmp2:
0x33: {  	_ = 	snop;
	(pc) =	sbr.rel @p0 .LBB1_5-.Ltmp2, $1  }
0x34: {  	_ =	sdelay $0x3  }
0x35: {  	s15 =	sand.u32 $0x4000, s9  }
0x36: {  	s16 =	sor.u32 $0x70, s15  }
0x37: {  	v1 =	vmov s16;
	_ =	sdelay $0x1  }
0x38: {  	_ =	swait.ge [sflag:s4], $0x4000  }
0x39: {  	[sflag:s4] =	ssyncset.done $0x0  }
0x3a: {  	[sflag:s4] =	ssyncadd.s32 $0xFFFFC000;
	s16 =	simm.s32 $0x0  }
0x3b: {  	s15 =	sor.u32 $0x8040, s15;
	v7 =	vld.idx.msk [tilespmem:v1+s16+$0x0 ss:$0x1], $0xffff  }
0x3c: {  	v0 =	vmov s15;
	v8 =	vld.idx.msk [tilespmem:v1+s16+$0xFFFFFF90 ss:$0x1], $0xffff  }
0x3d: {  	v6 =	vld.idx.msk [tilespmem:v1+s16+$0xFFFFFFA0 ss:$0x1], $0xffff  }
0x3e: {  	v4 =	vld.idx.msk [tilespmem:v1+s16+$0xFFFFFFB0 ss:$0x1], $0xffff  }
0x3f: {  	v2 =	vld.idx.msk [tilespmem:v1+s16+$0xFFFFFFC0 ss:$0x1], $0xffff  }
0x40: {  	s31 =	sshll.u32 s12, $0xE;
	v3 =	vld.idx.msk [tilespmem:v1+s16+$0xFFFFFFD0 ss:$0x1], $0xffff  }
0x41: {  	s15 =	sand.u32 $0x4000, s31;
	v5 =	vld.idx.msk [tilespmem:v1+s16+$0xFFFFFFE0 ss:$0x1], $0xffff;
	[tilespmem:v0+s16+$0x30 ss:$0x1] =	vst.idx.msk $0xffff, v7  }
0x42: {  	s17 =	simm.s32 $0x80;
	s18 =	simm.s32 $0x400;
	s15 =	sor.u32 $0x8000, s15;
	[tilespmem:v0+s16+$0xFFFFFFC0 ss:$0x1] =	vst.idx.msk $0xffff, v8;
	v7 =	vld.idx.msk [tilespmem:v1+s16+$0xFFFFFFF0 ss:$0x1], $0xffff  }
.LBB1_3:
0x43: {  	p0 =	sne.s32 s18, $0xFE00;
	v8 =	vld.idx.msk [tilespmem:v1+s17+$0x0 ss:$0x1], $0xffff;
	[tilespmem:v0+s16+$0xFFFFFFD0 ss:$0x1] =	vst.idx.msk $0xffff, v6  }
0x44: {  	v9 =	vld.idx.msk [tilespmem:v1+s17+$0xFFFFFF90 ss:$0x1], $0xffff;
	[tilespmem:v0+s16+$0xFFFFFFE0 ss:$0x1] =	vst.idx.msk $0xffff, v4  }
0x45: {  	v6 =	vld.idx.msk [tilespmem:v1+s17+$0xFFFFFFA0 ss:$0x1], $0xffff;
	[tilespmem:v0+s16+$0xFFFFFFF0 ss:$0x1] =	vst.idx.msk $0xffff, v2  }
.Ltmp3:
0x46: {  	v4 =	vld.idx.msk [tilespmem:v1+s17+$0xFFFFFFB0 ss:$0x1], $0xffff;
	[tilespmem:v0+s16+$0x0 ss:$0x1] =	vst.idx.msk $0xffff, v3;
	(pc) =	sbr.rel @p0 .LBB1_3-.Ltmp3, $4  }
0x47: {  	v2 =	vld.idx.msk [tilespmem:v1+s17+$0xFFFFFFC0 ss:$0x1], $0xffff;
	[tilespmem:v0+s16+$0x10 ss:$0x1] =	vst.idx.msk $0xffff, v5  }
0x48: {  	v3 =	vld.idx.msk [tilespmem:v1+s17+$0xFFFFFFD0 ss:$0x1], $0xffff;
	[tilespmem:v0+s16+$0x20 ss:$0x1] =	vst.idx.msk $0xffff, v7;
	s16 =	smov.u32 s17  }
0x49: {  	v5 =	vld.idx.msk [tilespmem:v1+s16+$0xFFFFFFE0 ss:$0x1], $0xffff;
	[tilespmem:v0+s16+$0x30 ss:$0x1] =	vst.idx.msk $0xffff, v8  }
0x4a: {  	s17 =	sshra.s32 s18, $0x2;
	s18 =	sadd.s32 $0x200, s18;
	[tilespmem:v0+s16+$0xFFFFFFC0 ss:$0x1] =	vst.idx.msk $0xffff, v9;
	v7 =	vld.idx.msk [tilespmem:v1+s16+$0xFFFFFFF0 ss:$0x1], $0xffff  }
.Ltmp4:
0x4b: {  	_ = 	snop;
	(pc) =	sbr.rel .LBB1_4-.Ltmp4, $1  }
0x4c: {  	_ =	sdelay $0x3  }
.LBB1_6:
0x4d: {  	_ =	sfence.sel $0x180000  }
0x4e: {  	s2 =	simm.s32 $0x1;
	[bflag:$0x0] =	sbarrier.arrive $0xFFFF  }
0x4f: {  	s31 =	simm.s32 $0x2;
	[sflag:s2] =	ssyncpa.u1 $0x1  }
0x50: {  	[sflag:s31] =	ssyncpa.u1 $0x1  }
0x51: {  	p0 =	sne.s32 s0, $0x0;
	_ =	strace $0x9000004D  }
0x52: {  	s0 =	sadd.s32 @!p0 $0x100000, s1;
	[bflag:$0x2] =	sbarrier.arrive $0xFFFF  }
0x53: {  	[sflag:s0] =	ssyncadd.tile.s32 @!p0 $0x1;
	_ =	shalt  }
.Lfunc_end1:
_tile_overlayer_lowered:
.L_overlay_start_2:
0x54: {  	(tag) =	ssettag $0x2  }
0x55: {  	s0 =	rddreg [dreg:$0x0];
	s2 =	stileid.u32  }
0x56: {  	s1 =	rddreg [dreg:$0x1];
	p0 =	sne.s32 s2, $0x0  }
0x57: {  	s3 =	rddreg [dreg:$0x2];
	[bflag:$0x3] =	sbarrier.arrive $0xFFFF;
	s2 =	simm.s32 @!p0 $0x1C01  }
0x58: {  	[timem:s3], [sflag:s2] =	dma.local @!p0 [hbm:s0], s1  }
0x59: {  	s0 =	simm.s32 @!p0 $0x1  }
0x5a: {  	_ =	swait.ge @!p0 [sflag:s0], s1  }
0x5b: {  	s1 =	ssub.s32 @!p0 $0x0, s1;
	[sflag:s0] =	ssyncset.done @!p0 $0x0  }
0x5c: {  	[sflag:s0] =	ssyncadd.s32 @!p0 s1  }
0x5d: {  	[bflag:$0x3] =	sbarrier.arrive $0xFFFF  }
0x5e: {  	_ =	shalt  }

</sc_bundles>
